<compile_context>
chip_gen: v7x
topology: tpu7x:2x2x1
jax: 0.10.2.dev20260603
libtpu: 0.0.44.dev20260713+nightly
codegen_flags: <defaults>
</compile_context>

<pallas_src>
import functools

import jax
import jax.numpy as jnp
from jax import lax
from jax.experimental import pallas as pl
from jax.experimental.pallas import tpu as pltpu
from jax.experimental.pallas import tpu_sc as plsc

D = 768
H = 4 * D
E = 8
TOPK = 2
T = 2048
CAP = 640
S = E * CAP
NENT = TOPK * T
NC = 2
NS = 16
NW = NC * NS

_BLK = 512
_NBLK = NENT // _BLK
_ENT_PER_W = NENT // NW
S_FULL = S + _ENT_PER_W


def _router_body(x_ref, wg_ref, slotc_ref, slots_ref, w_ref):
    xv = x_ref[...]
    wg = wg_ref[...]
    logits = jnp.dot(xv, wg, preferred_element_type=jnp.float32)

    ii = lax.broadcasted_iota(jnp.int32, (T, E), 1)
    l0 = jnp.max(logits, axis=1, keepdims=True)
    e0 = jnp.min(jnp.where(logits == l0, ii, E), axis=1, keepdims=True)
    m1 = jnp.where(ii == e0, -jnp.inf, logits)
    l1 = jnp.max(m1, axis=1, keepdims=True)
    e1 = jnp.min(jnp.where(m1 == l1, ii, E), axis=1, keepdims=True)
    z = jnp.exp(l1 - l0)
    p0 = 1.0 / (1.0 + z)
    p1 = z / (1.0 + z)

    e_full = jnp.concatenate([e0, e1], axis=0)
    p_full = jnp.concatenate([p0, p1], axis=0)

    r = lax.broadcasted_iota(jnp.int32, (_BLK, _BLK), 0)
    c = lax.broadcasted_iota(jnp.int32, (_BLK, _BLK), 1)
    tri = (r >= c).astype(jnp.float32)
    ii8 = lax.broadcasted_iota(jnp.int32, (_BLK, E), 1)
    mbs = []
    for b in range(_NBLK):
        eb = lax.slice(e_full, (b * _BLK, 0), ((b + 1) * _BLK, 1))
        mbs.append((ii8 == eb).astype(jnp.float32))
    m2 = jnp.concatenate(mbs, axis=1)
    pres = [jnp.zeros((1, E), jnp.float32)]
    for b in range(1, _NBLK):
        pres.append(pres[-1] + jnp.sum(mbs[b - 1], axis=0, keepdims=True))
    pre2 = jnp.concatenate(pres, axis=1)
    inc_all = jnp.dot(tri, m2, preferred_element_type=jnp.float32) + pre2
    sel = m2 * inc_all
    ranks = []
    for b in range(_NBLK):
        sb = lax.slice(sel, (0, b * E), (_BLK, (b + 1) * E))
        ranks.append(jnp.round(jnp.sum(sb, axis=1, keepdims=True)) - 1)
    rank = jnp.concatenate(ranks, axis=0).astype(jnp.int32)

    kept = rank < CAP
    slotc_ref[...] = jnp.where(kept, e_full * CAP + rank, e_full * CAP + (CAP - 1))
    ent_i = lax.broadcasted_iota(jnp.int32, (NENT, 1), 0)
    slots_ref[...] = jnp.where(kept, e_full * CAP + rank,
                               S + (ent_i & (_ENT_PER_W - 1)))
    w_ref[...] = jnp.broadcast_to(jnp.where(kept, p_full, 0.0), (NENT, 16))


def _router(x2, w_g):
    return pl.pallas_call(
        _router_body,
        out_shape=[
            jax.ShapeDtypeStruct((NENT, 1), jnp.int32),
            jax.ShapeDtypeStruct((NENT, 1), jnp.int32),
            jax.ShapeDtypeStruct((NENT, 16), jnp.float32),
        ],
    )(x2, w_g)


def _dispatch_body(x_hbm, slot_hbm, out_hbm, idx_v, rows, sem, semi):
    wid = lax.axis_index("s") * NC + lax.axis_index("c")
    base = wid * _ENT_PER_W
    tok_base = lax.rem(base, T)
    ci = pltpu.async_copy(slot_hbm.at[pl.ds(base, _ENT_PER_W)], idx_v.at[0], semi)
    cr = pltpu.async_copy(x_hbm.at[pl.ds(tok_base, _ENT_PER_W)], rows, sem)
    ci.wait()
    cr.wait()
    pltpu.async_copy(rows, out_hbm.at[idx_v.at[0]], sem).wait()


@functools.cache
def _sc_mesh():
    return plsc.VectorSubcoreMesh(core_axis_name="c", subcore_axis_name="s")


@functools.cache
def _dispatch_call():
    return functools.partial(
        pl.kernel,
        mesh=_sc_mesh(),
        out_type=jax.ShapeDtypeStruct((S_FULL, D), jnp.float32),
        scratch_types=[
            pltpu.VMEM((1, _ENT_PER_W), jnp.int32),
            pltpu.VMEM((_ENT_PER_W, D), jnp.float32),
            pltpu.SemaphoreType.DMA,
            pltpu.SemaphoreType.DMA,
        ],
    )(_dispatch_body)


_FT = 768


def _mlp_body(x_ref, fc_ref, pj_ref, out_ref):
    f = pl.program_id(1)
    xb = x_ref[...].astype(jnp.bfloat16)
    fc = fc_ref[0].astype(jnp.bfloat16)
    h = jnp.dot(xb, fc, preferred_element_type=jnp.float32)
    g = h * 0.5 * (1.0 + lax.erf(h * 0.7071067811865476))
    pj = pj_ref[0].astype(jnp.bfloat16)
    contrib = jnp.dot(g.astype(jnp.bfloat16), pj, preferred_element_type=jnp.float32)

    @pl.when(f == 0)
    def _():
        out_ref[...] = contrib

    @pl.when(f != 0)
    def _():
        out_ref[...] += contrib


def _mlp(xe, c_fc, c_proj):
    return pl.pallas_call(
        _mlp_body,
        grid=(E, H // _FT),
        in_specs=[
            pl.BlockSpec((CAP, D), lambda e, f: (e, 0)),
            pl.BlockSpec((1, D, _FT), lambda e, f: (e, 0, f)),
            pl.BlockSpec((1, _FT, D), lambda e, f: (e, f, 0)),
        ],
        out_specs=pl.BlockSpec((CAP, D), lambda e, f: (e, 0)),
        out_shape=jax.ShapeDtypeStruct((S, D), jnp.float32),
        compiler_params=pltpu.CompilerParams(
            dimension_semantics=("arbitrary", "arbitrary")),
    )(xe, c_fc, c_proj)


_TOK_PER_W = T // NW


_WV = _TOK_PER_W // 2


def _combine_body(eo_hbm, slot_hbm, w_hbm, out_hbm,
                  idx_v, w_v, r0a, r1a, r0b, r1b, sa, sb, swr):
    wid = lax.axis_index("s") * NC + lax.axis_index("c")
    base = wid * _TOK_PER_W
    pltpu.sync_copy(slot_hbm.at[pl.ds(base, _WV)], idx_v.at[0])
    pltpu.sync_copy(slot_hbm.at[pl.ds(base + _WV, _WV)], idx_v.at[1])
    pltpu.sync_copy(slot_hbm.at[pl.ds(T + base, _WV)], idx_v.at[2])
    pltpu.sync_copy(slot_hbm.at[pl.ds(T + base + _WV, _WV)], idx_v.at[3])
    pltpu.sync_copy(w_hbm.at[pl.ds(base, _TOK_PER_W), :], w_v.at[0])
    pltpu.sync_copy(w_hbm.at[pl.ds(T + base, _TOK_PER_W), :], w_v.at[1])
    ga0 = pltpu.async_copy(eo_hbm.at[idx_v.at[0]], r0a, sa)
    ga1 = pltpu.async_copy(eo_hbm.at[idx_v.at[2]], r1a, sa)
    gb0 = pltpu.async_copy(eo_hbm.at[idx_v.at[1]], r0b, sb)
    gb1 = pltpu.async_copy(eo_hbm.at[idx_v.at[3]], r1b, sb)

    zero = jnp.zeros((16,), jnp.float32)

    def wave(rr0, rr1, toff):
        def tok_body(t, _):
            w0 = w_v[0, toff + t, :]
            w1 = w_v[1, toff + t, :]

            def vec_body(v, _):
                for u in range(4):
                    sl = pl.ds(v * 64 + u * 16, 16)
                    a = jnp.where(w0 > 0.0, rr0[t, sl] * w0, zero)
                    b = jnp.where(w1 > 0.0, rr1[t, sl] * w1, zero)
                    rr0[t, sl] = a + b
                return 0

            lax.fori_loop(0, D // 64, vec_body, 0)
            return 0

        lax.fori_loop(0, _WV, tok_body, 0)

    ga0.wait()
    ga1.wait()
    wave(r0a, r1a, 0)
    wa = pltpu.async_copy(r0a, out_hbm.at[pl.ds(base, _WV)], swr)
    gb0.wait()
    gb1.wait()
    wave(r0b, r1b, _WV)
    wb = pltpu.async_copy(r0b, out_hbm.at[pl.ds(base + _WV, _WV)], swr)
    wa.wait()
    wb.wait()


@functools.cache
def _combine_call():
    return functools.partial(
        pl.kernel,
        mesh=_sc_mesh(),
        out_type=jax.ShapeDtypeStruct((T, D), jnp.float32),
        scratch_types=[
            pltpu.VMEM((4, _WV), jnp.int32),
            pltpu.VMEM((2, _TOK_PER_W, 16), jnp.float32),
            pltpu.VMEM((_WV, D), jnp.float32),
            pltpu.VMEM((_WV, D), jnp.float32),
            pltpu.VMEM((_WV, D), jnp.float32),
            pltpu.VMEM((_WV, D), jnp.float32),
            pltpu.SemaphoreType.DMA,
            pltpu.SemaphoreType.DMA,
            pltpu.SemaphoreType.DMA,
        ],
    )(_combine_body)


def kernel(x, w_g, c_fc, c_proj):
    x2 = x.reshape(T, D)
    slot_c, slot_s, w = _router(x2, w_g)
    xe = _dispatch_call()(x2, slot_s.reshape(NENT))
    eo = _mlp(xe, c_fc, c_proj)
    eo = _mlp(xe, c_fc, c_proj)
    out = _combine_call()(eo, slot_c.reshape(NENT), w)
    return out.reshape(x.shape)

# --- scband reference (transcript-rebuilt; emitter-appended) ---
"""Pipeline reference for scband-moelayer-8083128451228 (READ-ONLY COPY).

The authoritative reference and input builder live on the scoring server;
editing this copy changes nothing except your own understanding.
"""

import jax, jax.numpy as jnp
import numpy as np

D = 768
N_EXP = 8
TOP_K = 2
CAP_FACTOR = 1.25
B, C = 1, 2048
T = B * C
CAP = int(TOP_K * CAP_FACTOR * T / N_EXP)


def setup_inputs(seed: int = 0) -> dict:
    key = jax.random.key(seed)
    k1, k2, k3, k4 = jax.random.split(key, 4)
    x = jax.random.normal(k1, (B, C, D), dtype=jnp.float32)
    w_g = jax.random.normal(k2, (D, N_EXP), dtype=jnp.float32) * 0.02
    c_fc = jax.random.normal(k3, (N_EXP, D, 4 * D), dtype=jnp.float32) * 0.02
    c_proj = jax.random.normal(k4, (N_EXP, 4 * D, D), dtype=jnp.float32) * 0.02
    return {"x": x, "w_g": w_g, "c_fc": c_fc, "c_proj": c_proj}


def reference(x, w_g, c_fc, c_proj):
    Bx, Cx, d = x.shape
    T_ = Bx * Cx
    # --- Router (noiseless top-k; use_noisy_top_k=False, eval mode) ---
    logits = x @ w_g  # [B, C, n_exp]
    top_k_logits, top_k_idx = jax.lax.top_k(logits, TOP_K)  # [B, C, k]
    # scatter top-k logits back, rest -> -inf, then softmax
    hot = jax.nn.one_hot(top_k_idx, N_EXP, dtype=logits.dtype)  # [B, C, k, n_exp]
    sel_mask = hot.sum(axis=-2) > 0  # [B, C, n_exp]
    masked_logits = jnp.where(sel_mask, logits, -jnp.inf)
    router_probs = jax.nn.softmax(masked_logits, axis=-1)  # [B, C, n_exp]
    # --- Capacity-based dispatch ---
    exp_mask = hot.reshape(T_, TOP_K, N_EXP).transpose(1, 0, 2)  # [k, T, n_exp]
    exp_rank = jnp.cumsum(exp_mask.reshape(TOP_K * T_, N_EXP), axis=0) - 1.0
    exp_rank = exp_rank.reshape(TOP_K, T_, N_EXP)
    exp_mask = exp_mask * (exp_rank < CAP).astype(exp_mask.dtype)
    exp_rank = jnp.sum(exp_mask * exp_rank, axis=-1).astype(jnp.int32)  # [k, T]
    probs_flat = router_probs.reshape(T_, N_EXP)
    exp_weights = exp_mask * probs_flat[None, :, :]  # [k, T, n_exp]
    exp_rank_sc = jax.nn.one_hot(exp_rank, CAP, dtype=x.dtype)  # [k, T, cap]
    cb_weight = jnp.sum(
        exp_weights[:, :, :, None] * exp_rank_sc[:, :, None, :], axis=0
    )  # [T, n_exp, cap]
    sec_mask = (cb_weight > 0).astype(x.dtype)  # [T, n_exp, cap]
    x_flat = x.reshape(T_, d)
    exp_batches = jnp.einsum("tec,td->ecd", sec_mask, x_flat)  # [n_exp, cap, d]
    # --- Experts: batched MLP, GELU (exact), dropout=0 ---
    h = jnp.einsum("ecd,edf->ecf", exp_batches, c_fc)
    h = jax.nn.gelu(h, approximate=False)
    exp_out = jnp.einsum("ecf,efd->ecd", h, c_proj)  # [n_exp, cap, d]
    # --- Combine ---
    exp_weight = cb_weight.reshape(T_, N_EXP * CAP)
    out = exp_weight @ exp_out.reshape(N_EXP * CAP, d)  # [T, d]
    return out.reshape(Bx, Cx, d)

if __name__ == "__main__":
    import jax
    _d = setup_inputs()
    print(jax.jit(kernel)(*tuple(_d.values())))

</pallas_src>

<mosaic_0001>
#map = affine_map<(d0, d1) -> (0, 0)>
#map1 = affine_map<(d0, d1) -> (0)>
module attributes {stable_mosaic.version = 14 : i64} {
  func.func @_combine_body(%arg0: i32, %arg1: i32, %arg2: memref<5120x768xf32, #tpu.memory_space<hbm>>, %arg3: memref<4096xi32, #tpu.memory_space<hbm>>, %arg4: memref<4096x16xf32, #tpu.memory_space<hbm>>, %arg5: memref<2048x768xf32, #tpu.memory_space<hbm>>, %arg6: memref<4x32xi32, #tpu.memory_space<vmem>>, %arg7: memref<2x64x16xf32, #tpu.memory_space<vmem>>, %arg8: memref<32x768xf32, #tpu.memory_space<vmem>>, %arg9: memref<32x768xf32, #tpu.memory_space<vmem>>, %arg10: memref<32x768xf32, #tpu.memory_space<vmem>>, %arg11: memref<32x768xf32, #tpu.memory_space<vmem>>, %arg12: memref<!tpu.dma_semaphore, #tpu.memory_space<semaphore_mem>>, %arg13: memref<!tpu.dma_semaphore, #tpu.memory_space<semaphore_mem>>, %arg14: memref<!tpu.dma_semaphore, #tpu.memory_space<semaphore_mem>>) attributes {dimension_semantics = [#tpu.dimension_semantics<core_parallel>, #tpu.dimension_semantics<subcore_parallel>], iteration_bounds = array<i64: 2, 16>, scalar_prefetch = 0 : i64, scratch_operands = 9 : i64, tpu.core_type = #tpu.core_type<sc_vector_subcore>, window_params = [{transform_indices = #map}, {transform_indices = #map1}, {transform_indices = #map}, {transform_indices = #map}]} {
    %mul3A = arith.constant 2 : i32
    %mul3A_0 = arith.muli %arg1, %mul3A : i32
    %add3A = arith.addi %mul3A_0, %arg0 : i32
    %mul3A_1 = arith.constant 64 : i32
    %mul3A_2 = arith.muli %add3A, %mul3A_1 : i32
    %run_scoped3A = arith.constant 0 : i32
    "tpu.region"() ({
      %run_scoped3A_104 = tpu.sem_alloc : memref<!tpu.dma_semaphore, #tpu.memory_space<semaphore_mem>>
      %dma_start3A_105 = arith.constant 0 : i32
      %dma_start3A_106 = tpu.memref_slice %arg6[%run_scoped3A, %dma_start3A_105] : memref<4x32xi32, #tpu.memory_space<vmem>> -> memref<1x32xi32, #tpu.memory_space<vmem>>
      %dma_start3A_107 = tpu.memref_squeeze %dma_start3A_106 : memref<1x32xi32, #tpu.memory_space<vmem>> -> memref<32xi32, #tpu.memory_space<vmem>>
      %dma_start3A_108 = tpu.memref_slice %arg3[%mul3A_2] : memref<4096xi32, #tpu.memory_space<hbm>> -> memref<32xi32, #tpu.memory_space<hbm>>
      %dma_start3A_109 = arith.constant 0 : i32
      %dma_start3A_110 = tpu.memref_slice %arg6[%run_scoped3A, %dma_start3A_109] : memref<4x32xi32, #tpu.memory_space<vmem>> -> memref<1x32xi32, #tpu.memory_space<vmem>>
      %dma_start3A_111 = tpu.memref_squeeze %dma_start3A_110 : memref<1x32xi32, #tpu.memory_space<vmem>> -> memref<32xi32, #tpu.memory_space<vmem>>
      %dma_start3A_112 = tpu.memref_slice %arg3[%mul3A_2] : memref<4096xi32, #tpu.memory_space<hbm>> -> memref<32xi32, #tpu.memory_space<hbm>>
      tpu.enqueue_dma source(%dma_start3A_112 : memref<32xi32, #tpu.memory_space<hbm>>) target(%dma_start3A_111 : memref<32xi32, #tpu.memory_space<vmem>>) target_semaphore(%run_scoped3A_104 : memref<!tpu.dma_semaphore, #tpu.memory_space<semaphore_mem>>)
      %dma_wait3A_113 = arith.constant 0 : i32
      %dma_wait3A_114 = tpu.memref_slice %arg6[%run_scoped3A, %dma_wait3A_113] : memref<4x32xi32, #tpu.memory_space<vmem>> -> memref<1x32xi32, #tpu.memory_space<vmem>>
      %dma_wait3A_115 = tpu.memref_squeeze %dma_wait3A_114 : memref<1x32xi32, #tpu.memory_space<vmem>> -> memref<32xi32, #tpu.memory_space<vmem>>
      %dma_wait3A_116 = tpu.memref_slice %arg3[%mul3A_2] : memref<4096xi32, #tpu.memory_space<hbm>> -> memref<32xi32, #tpu.memory_space<hbm>>
      %dma_wait3A_117 = arith.constant 0 : i32
      %dma_wait3A_118 = tpu.memref_slice %arg6[%run_scoped3A, %dma_wait3A_117] : memref<4x32xi32, #tpu.memory_space<vmem>> -> memref<1x32xi32, #tpu.memory_space<vmem>>
      %dma_wait3A_119 = tpu.memref_squeeze %dma_wait3A_118 : memref<1x32xi32, #tpu.memory_space<vmem>> -> memref<32xi32, #tpu.memory_space<vmem>>
      %dma_wait3A_120 = tpu.memref_slice %arg3[%mul3A_2] : memref<4096xi32, #tpu.memory_space<hbm>> -> memref<32xi32, #tpu.memory_space<hbm>>
      tpu.wait_dma2 semaphore(%run_scoped3A_104 : memref<!tpu.dma_semaphore, #tpu.memory_space<semaphore_mem>>) src(%dma_wait3A_120 : memref<32xi32, #tpu.memory_space<hbm>>) dst(%dma_wait3A_119 : memref<32xi32, #tpu.memory_space<vmem>>)
      tpu.yield
    }) : () -> ()
    %add3A_3 = arith.constant 32 : i32
    %add3A_4 = arith.addi %mul3A_2, %add3A_3 : i32
    %run_scoped3A_5 = arith.constant 1 : i32
    "tpu.region"() ({
      %run_scoped3A_104 = tpu.sem_alloc : memref<!tpu.dma_semaphore, #tpu.memory_space<semaphore_mem>>
      %dma_start3A_105 = arith.constant 0 : i32
      %dma_start3A_106 = tpu.memref_slice %arg6[%run_scoped3A_5, %dma_start3A_105] : memref<4x32xi32, #tpu.memory_space<vmem>> -> memref<1x32xi32, #tpu.memory_space<vmem>>
      %dma_start3A_107 = tpu.memref_squeeze %dma_start3A_106 : memref<1x32xi32, #tpu.memory_space<vmem>> -> memref<32xi32, #tpu.memory_space<vmem>>
      %dma_start3A_108 = tpu.memref_slice %arg3[%add3A_4] : memref<4096xi32, #tpu.memory_space<hbm>> -> memref<32xi32, #tpu.memory_space<hbm>>
      %dma_start3A_109 = arith.constant 0 : i32
      %dma_start3A_110 = tpu.memref_slice %arg6[%run_scoped3A_5, %dma_start3A_109] : memref<4x32xi32, #tpu.memory_space<vmem>> -> memref<1x32xi32, #tpu.memory_space<vmem>>
      %dma_start3A_111 = tpu.memref_squeeze %dma_start3A_110 : memref<1x32xi32, #tpu.memory_space<vmem>> -> memref<32xi32, #tpu.memory_space<vmem>>
      %dma_start3A_112 = tpu.memref_slice %arg3[%add3A_4] : memref<4096xi32, #tpu.memory_space<hbm>> -> memref<32xi32, #tpu.memory_space<hbm>>
      tpu.enqueue_dma source(%dma_start3A_112 : memref<32xi32, #tpu.memory_space<hbm>>) target(%dma_start3A_111 : memref<32xi32, #tpu.memory_space<vmem>>) target_semaphore(%run_scoped3A_104 : memref<!tpu.dma_semaphore, #tpu.memory_space<semaphore_mem>>)
      %dma_wait3A_113 = arith.constant 0 : i32
      %dma_wait3A_114 = tpu.memref_slice %arg6[%run_scoped3A_5, %dma_wait3A_113] : memref<4x32xi32, #tpu.memory_space<vmem>> -> memref<1x32xi32, #tpu.memory_space<vmem>>
      %dma_wait3A_115 = tpu.memref_squeeze %dma_wait3A_114 : memref<1x32xi32, #tpu.memory_space<vmem>> -> memref<32xi32, #tpu.memory_space<vmem>>
      %dma_wait3A_116 = tpu.memref_slice %arg3[%add3A_4] : memref<4096xi32, #tpu.memory_space<hbm>> -> memref<32xi32, #tpu.memory_space<hbm>>
      %dma_wait3A_117 = arith.constant 0 : i32
      %dma_wait3A_118 = tpu.memref_slice %arg6[%run_scoped3A_5, %dma_wait3A_117] : memref<4x32xi32, #tpu.memory_space<vmem>> -> memref<1x32xi32, #tpu.memory_space<vmem>>
      %dma_wait3A_119 = tpu.memref_squeeze %dma_wait3A_118 : memref<1x32xi32, #tpu.memory_space<vmem>> -> memref<32xi32, #tpu.memory_space<vmem>>
      %dma_wait3A_120 = tpu.memref_slice %arg3[%add3A_4] : memref<4096xi32, #tpu.memory_space<hbm>> -> memref<32xi32, #tpu.memory_space<hbm>>
      tpu.wait_dma2 semaphore(%run_scoped3A_104 : memref<!tpu.dma_semaphore, #tpu.memory_space<semaphore_mem>>) src(%dma_wait3A_120 : memref<32xi32, #tpu.memory_space<hbm>>) dst(%dma_wait3A_119 : memref<32xi32, #tpu.memory_space<vmem>>)
      tpu.yield
    }) : () -> ()
    %add3A_6 = arith.constant 2048 : i32
    %add3A_7 = arith.addi %add3A_6, %mul3A_2 : i32
    %run_scoped3A_8 = arith.constant 2 : i32
    "tpu.region"() ({
      %run_scoped3A_104 = tpu.sem_alloc : memref<!tpu.dma_semaphore, #tpu.memory_space<semaphore_mem>>
      %dma_start3A_105 = arith.constant 0 : i32
      %dma_start3A_106 = tpu.memref_slice %arg6[%run_scoped3A_8, %dma_start3A_105] : memref<4x32xi32, #tpu.memory_space<vmem>> -> memref<1x32xi32, #tpu.memory_space<vmem>>
      %dma_start3A_107 = tpu.memref_squeeze %dma_start3A_106 : memref<1x32xi32, #tpu.memory_space<vmem>> -> memref<32xi32, #tpu.memory_space<vmem>>
      %dma_start3A_108 = tpu.memref_slice %arg3[%add3A_7] : memref<4096xi32, #tpu.memory_space<hbm>> -> memref<32xi32, #tpu.memory_space<hbm>>
      %dma_start3A_109 = arith.constant 0 : i32
      %dma_start3A_110 = tpu.memref_slice %arg6[%run_scoped3A_8, %dma_start3A_109] : memref<4x32xi32, #tpu.memory_space<vmem>> -> memref<1x32xi32, #tpu.memory_space<vmem>>
      %dma_start3A_111 = tpu.memref_squeeze %dma_start3A_110 : memref<1x32xi32, #tpu.memory_space<vmem>> -> memref<32xi32, #tpu.memory_space<vmem>>
      %dma_start3A_112 = tpu.memref_slice %arg3[%add3A_7] : memref<4096xi32, #tpu.memory_space<hbm>> -> memref<32xi32, #tpu.memory_space<hbm>>
      tpu.enqueue_dma source(%dma_start3A_112 : memref<32xi32, #tpu.memory_space<hbm>>) target(%dma_start3A_111 : memref<32xi32, #tpu.memory_space<vmem>>) target_semaphore(%run_scoped3A_104 : memref<!tpu.dma_semaphore, #tpu.memory_space<semaphore_mem>>)
      %dma_wait3A_113 = arith.constant 0 : i32
      %dma_wait3A_114 = tpu.memref_slice %arg6[%run_scoped3A_8, %dma_wait3A_113] : memref<4x32xi32, #tpu.memory_space<vmem>> -> memref<1x32xi32, #tpu.memory_space<vmem>>
      %dma_wait3A_115 = tpu.memref_squeeze %dma_wait3A_114 : memref<1x32xi32, #tpu.memory_space<vmem>> -> memref<32xi32, #tpu.memory_space<vmem>>
      %dma_wait3A_116 = tpu.memref_slice %arg3[%add3A_7] : memref<4096xi32, #tpu.memory_space<hbm>> -> memref<32xi32, #tpu.memory_space<hbm>>
      %dma_wait3A_117 = arith.constant 0 : i32
      %dma_wait3A_118 = tpu.memref_slice %arg6[%run_scoped3A_8, %dma_wait3A_117] : memref<4x32xi32, #tpu.memory_space<vmem>> -> memref<1x32xi32, #tpu.memory_space<vmem>>
      %dma_wait3A_119 = tpu.memref_squeeze %dma_wait3A_118 : memref<1x32xi32, #tpu.memory_space<vmem>> -> memref<32xi32, #tpu.memory_space<vmem>>
      %dma_wait3A_120 = tpu.memref_slice %arg3[%add3A_7] : memref<4096xi32, #tpu.memory_space<hbm>> -> memref<32xi32, #tpu.memory_space<hbm>>
      tpu.wait_dma2 semaphore(%run_scoped3A_104 : memref<!tpu.dma_semaphore, #tpu.memory_space<semaphore_mem>>) src(%dma_wait3A_120 : memref<32xi32, #tpu.memory_space<hbm>>) dst(%dma_wait3A_119 : memref<32xi32, #tpu.memory_space<vmem>>)
      tpu.yield
    }) : () -> ()
    %add3A_9 = arith.constant 2048 : i32
    %add3A_10 = arith.addi %add3A_9, %mul3A_2 : i32
    %add3A_11 = arith.constant 32 : i32
    %add3A_12 = arith.addi %add3A_10, %add3A_11 : i32
    %run_scoped3A_13 = arith.constant 3 : i32
    "tpu.region"() ({
      %run_scoped3A_104 = tpu.sem_alloc : memref<!tpu.dma_semaphore, #tpu.memory_space<semaphore_mem>>
      %dma_start3A_105 = arith.constant 0 : i32
      %dma_start3A_106 = tpu.memref_slice %arg6[%run_scoped3A_13, %dma_start3A_105] : memref<4x32xi32, #tpu.memory_space<vmem>> -> memref<1x32xi32, #tpu.memory_space<vmem>>
      %dma_start3A_107 = tpu.memref_squeeze %dma_start3A_106 : memref<1x32xi32, #tpu.memory_space<vmem>> -> memref<32xi32, #tpu.memory_space<vmem>>
      %dma_start3A_108 = tpu.memref_slice %arg3[%add3A_12] : memref<4096xi32, #tpu.memory_space<hbm>> -> memref<32xi32, #tpu.memory_space<hbm>>
      %dma_start3A_109 = arith.constant 0 : i32
      %dma_start3A_110 = tpu.memref_slice %arg6[%run_scoped3A_13, %dma_start3A_109] : memref<4x32xi32, #tpu.memory_space<vmem>> -> memref<1x32xi32, #tpu.memory_space<vmem>>
      %dma_start3A_111 = tpu.memref_squeeze %dma_start3A_110 : memref<1x32xi32, #tpu.memory_space<vmem>> -> memref<32xi32, #tpu.memory_space<vmem>>
      %dma_start3A_112 = tpu.memref_slice %arg3[%add3A_12] : memref<4096xi32, #tpu.memory_space<hbm>> -> memref<32xi32, #tpu.memory_space<hbm>>
      tpu.enqueue_dma source(%dma_start3A_112 : memref<32xi32, #tpu.memory_space<hbm>>) target(%dma_start3A_111 : memref<32xi32, #tpu.memory_space<vmem>>) target_semaphore(%run_scoped3A_104 : memref<!tpu.dma_semaphore, #tpu.memory_space<semaphore_mem>>)
      %dma_wait3A_113 = arith.constant 0 : i32
      %dma_wait3A_114 = tpu.memref_slice %arg6[%run_scoped3A_13, %dma_wait3A_113] : memref<4x32xi32, #tpu.memory_space<vmem>> -> memref<1x32xi32, #tpu.memory_space<vmem>>
      %dma_wait3A_115 = tpu.memref_squeeze %dma_wait3A_114 : memref<1x32xi32, #tpu.memory_space<vmem>> -> memref<32xi32, #tpu.memory_space<vmem>>
      %dma_wait3A_116 = tpu.memref_slice %arg3[%add3A_12] : memref<4096xi32, #tpu.memory_space<hbm>> -> memref<32xi32, #tpu.memory_space<hbm>>
      %dma_wait3A_117 = arith.constant 0 : i32
      %dma_wait3A_118 = tpu.memref_slice %arg6[%run_scoped3A_13, %dma_wait3A_117] : memref<4x32xi32, #tpu.memory_space<vmem>> -> memref<1x32xi32, #tpu.memory_space<vmem>>
      %dma_wait3A_119 = tpu.memref_squeeze %dma_wait3A_118 : memref<1x32xi32, #tpu.memory_space<vmem>> -> memref<32xi32, #tpu.memory_space<vmem>>
      %dma_wait3A_120 = tpu.memref_slice %arg3[%add3A_12] : memref<4096xi32, #tpu.memory_space<hbm>> -> memref<32xi32, #tpu.memory_space<hbm>>
      tpu.wait_dma2 semaphore(%run_scoped3A_104 : memref<!tpu.dma_semaphore, #tpu.memory_space<semaphore_mem>>) src(%dma_wait3A_120 : memref<32xi32, #tpu.memory_space<hbm>>) dst(%dma_wait3A_119 : memref<32xi32, #tpu.memory_space<vmem>>)
      tpu.yield
    }) : () -> ()
    %run_scoped3A_14 = arith.constant 0 : i32
    "tpu.region"() ({
      %run_scoped3A_104 = tpu.sem_alloc : memref<!tpu.dma_semaphore, #tpu.memory_space<semaphore_mem>>
      %dma_start3A_105 = arith.constant 0 : i32
      %dma_start3A_106 = arith.constant 0 : i32
      %dma_start3A_107 = tpu.memref_slice %arg7[%run_scoped3A_14, %dma_start3A_105, %dma_start3A_106] : memref<2x64x16xf32, #tpu.memory_space<vmem>> -> memref<1x64x16xf32, #tpu.memory_space<vmem>>
      %dma_start3A_108 = tpu.memref_squeeze %dma_start3A_107 : memref<1x64x16xf32, #tpu.memory_space<vmem>> -> memref<64x16xf32, #tpu.memory_space<vmem>>
      %dma_start3A_109 = arith.constant 0 : i32
      %dma_start3A_110 = tpu.memref_slice %arg4[%mul3A_2, %dma_start3A_109] : memref<4096x16xf32, #tpu.memory_space<hbm>> -> memref<64x16xf32, #tpu.memory_space<hbm>>
      %dma_start3A_111 = arith.constant 0 : i32
      %dma_start3A_112 = arith.constant 0 : i32
      %dma_start3A_113 = tpu.memref_slice %arg7[%run_scoped3A_14, %dma_start3A_111, %dma_start3A_112] : memref<2x64x16xf32, #tpu.memory_space<vmem>> -> memref<1x64x16xf32, #tpu.memory_space<vmem>>
      %dma_start3A_114 = tpu.memref_squeeze %dma_start3A_113 : memref<1x64x16xf32, #tpu.memory_space<vmem>> -> memref<64x16xf32, #tpu.memory_space<vmem>>
      %dma_start3A_115 = arith.constant 0 : i32
      %dma_start3A_116 = tpu.memref_slice %arg4[%mul3A_2, %dma_start3A_115] : memref<4096x16xf32, #tpu.memory_space<hbm>> -> memref<64x16xf32, #tpu.memory_space<hbm>>
      tpu.enqueue_dma source(%dma_start3A_116 : memref<64x16xf32, #tpu.memory_space<hbm>>) target(%dma_start3A_114 : memref<64x16xf32, #tpu.memory_space<vmem>>) target_semaphore(%run_scoped3A_104 : memref<!tpu.dma_semaphore, #tpu.memory_space<semaphore_mem>>)
      %dma_wait3A_117 = arith.constant 0 : i32
      %dma_wait3A_118 = arith.constant 0 : i32
      %dma_wait3A_119 = tpu.memref_slice %arg7[%run_scoped3A_14, %dma_wait3A_117, %dma_wait3A_118] : memref<2x64x16xf32, #tpu.memory_space<vmem>> -> memref<1x64x16xf32, #tpu.memory_space<vmem>>
      %dma_wait3A_120 = tpu.memref_squeeze %dma_wait3A_119 : memref<1x64x16xf32, #tpu.memory_space<vmem>> -> memref<64x16xf32, #tpu.memory_space<vmem>>
      %dma_wait3A_121 = arith.constant 0 : i32
      %dma_wait3A_122 = tpu.memref_slice %arg4[%mul3A_2, %dma_wait3A_121] : memref<4096x16xf32, #tpu.memory_space<hbm>> -> memref<64x16xf32, #tpu.memory_space<hbm>>
      %dma_wait3A_123 = arith.constant 0 : i32
      %dma_wait3A_124 = arith.constant 0 : i32
      %dma_wait3A_125 = tpu.memref_slice %arg7[%run_scoped3A_14, %dma_wait3A_123, %dma_wait3A_124] : memref<2x64x16xf32, #tpu.memory_space<vmem>> -> memref<1x64x16xf32, #tpu.memory_space<vmem>>
      %dma_wait3A_126 = tpu.memref_squeeze %dma_wait3A_125 : memref<1x64x16xf32, #tpu.memory_space<vmem>> -> memref<64x16xf32, #tpu.memory_space<vmem>>
      %dma_wait3A_127 = arith.constant 0 : i32
      %dma_wait3A_128 = tpu.memref_slice %arg4[%mul3A_2, %dma_wait3A_127] : memref<4096x16xf32, #tpu.memory_space<hbm>> -> memref<64x16xf32, #tpu.memory_space<hbm>>
      tpu.wait_dma2 semaphore(%run_scoped3A_104 : memref<!tpu.dma_semaphore, #tpu.memory_space<semaphore_mem>>) src(%dma_wait3A_128 : memref<64x16xf32, #tpu.memory_space<hbm>>) dst(%dma_wait3A_126 : memref<64x16xf32, #tpu.memory_space<vmem>>)
      tpu.yield
    }) : () -> ()
    %add3A_15 = arith.constant 2048 : i32
    %add3A_16 = arith.addi %add3A_15, %mul3A_2 : i32
    %run_scoped3A_17 = arith.constant 1 : i32
    "tpu.region"() ({
      %run_scoped3A_104 = tpu.sem_alloc : memref<!tpu.dma_semaphore, #tpu.memory_space<semaphore_mem>>
      %dma_start3A_105 = arith.constant 0 : i32
      %dma_start3A_106 = arith.constant 0 : i32
      %dma_start3A_107 = tpu.memref_slice %arg7[%run_scoped3A_17, %dma_start3A_105, %dma_start3A_106] : memref<2x64x16xf32, #tpu.memory_space<vmem>> -> memref<1x64x16xf32, #tpu.memory_space<vmem>>
      %dma_start3A_108 = tpu.memref_squeeze %dma_start3A_107 : memref<1x64x16xf32, #tpu.memory_space<vmem>> -> memref<64x16xf32, #tpu.memory_space<vmem>>
      %dma_start3A_109 = arith.constant 0 : i32
      %dma_start3A_110 = tpu.memref_slice %arg4[%add3A_16, %dma_start3A_109] : memref<4096x16xf32, #tpu.memory_space<hbm>> -> memref<64x16xf32, #tpu.memory_space<hbm>>
      %dma_start3A_111 = arith.constant 0 : i32
      %dma_start3A_112 = arith.constant 0 : i32
      %dma_start3A_113 = tpu.memref_slice %arg7[%run_scoped3A_17, %dma_start3A_111, %dma_start3A_112] : memref<2x64x16xf32, #tpu.memory_space<vmem>> -> memref<1x64x16xf32, #tpu.memory_space<vmem>>
      %dma_start3A_114 = tpu.memref_squeeze %dma_start3A_113 : memref<1x64x16xf32, #tpu.memory_space<vmem>> -> memref<64x16xf32, #tpu.memory_space<vmem>>
      %dma_start3A_115 = arith.constant 0 : i32
      %dma_start3A_116 = tpu.memref_slice %arg4[%add3A_16, %dma_start3A_115] : memref<4096x16xf32, #tpu.memory_space<hbm>> -> memref<64x16xf32, #tpu.memory_space<hbm>>
      tpu.enqueue_dma source(%dma_start3A_116 : memref<64x16xf32, #tpu.memory_space<hbm>>) target(%dma_start3A_114 : memref<64x16xf32, #tpu.memory_space<vmem>>) target_semaphore(%run_scoped3A_104 : memref<!tpu.dma_semaphore, #tpu.memory_space<semaphore_mem>>)
      %dma_wait3A_117 = arith.constant 0 : i32
      %dma_wait3A_118 = arith.constant 0 : i32
      %dma_wait3A_119 = tpu.memref_slice %arg7[%run_scoped3A_17, %dma_wait3A_117, %dma_wait3A_118] : memref<2x64x16xf32, #tpu.memory_space<vmem>> -> memref<1x64x16xf32, #tpu.memory_space<vmem>>
      %dma_wait3A_120 = tpu.memref_squeeze %dma_wait3A_119 : memref<1x64x16xf32, #tpu.memory_space<vmem>> -> memref<64x16xf32, #tpu.memory_space<vmem>>
      %dma_wait3A_121 = arith.constant 0 : i32
      %dma_wait3A_122 = tpu.memref_slice %arg4[%add3A_16, %dma_wait3A_121] : memref<4096x16xf32, #tpu.memory_space<hbm>> -> memref<64x16xf32, #tpu.memory_space<hbm>>
      %dma_wait3A_123 = arith.constant 0 : i32
      %dma_wait3A_124 = arith.constant 0 : i32
      %dma_wait3A_125 = tpu.memref_slice %arg7[%run_scoped3A_17, %dma_wait3A_123, %dma_wait3A_124] : memref<2x64x16xf32, #tpu.memory_space<vmem>> -> memref<1x64x16xf32, #tpu.memory_space<vmem>>
      %dma_wait3A_126 = tpu.memref_squeeze %dma_wait3A_125 : memref<1x64x16xf32, #tpu.memory_space<vmem>> -> memref<64x16xf32, #tpu.memory_space<vmem>>
      %dma_wait3A_127 = arith.constant 0 : i32
      %dma_wait3A_128 = tpu.memref_slice %arg4[%add3A_16, %dma_wait3A_127] : memref<4096x16xf32, #tpu.memory_space<hbm>> -> memref<64x16xf32, #tpu.memory_space<hbm>>
      tpu.wait_dma2 semaphore(%run_scoped3A_104 : memref<!tpu.dma_semaphore, #tpu.memory_space<semaphore_mem>>) src(%dma_wait3A_128 : memref<64x16xf32, #tpu.memory_space<hbm>>) dst(%dma_wait3A_126 : memref<64x16xf32, #tpu.memory_space<vmem>>)
      tpu.yield
    }) : () -> ()
    %dma_start3A = arith.constant 0 : i32
    %dma_start3A_18 = arith.constant 0 : i32
    %dma_start3A_19 = tpu.memref_slice %arg6[%dma_start3A, %dma_start3A_18] : memref<4x32xi32, #tpu.memory_space<vmem>> -> memref<1x32xi32, #tpu.memory_space<vmem>>
    %dma_start3A_20 = tpu.memref_squeeze %dma_start3A_19 : memref<1x32xi32, #tpu.memory_space<vmem>> -> memref<32xi32, #tpu.memory_space<vmem>>
    %dma_start3A_21 = arith.constant 0 : i32
    %dma_start3A_22 = arith.constant 0 : i32
    %dma_start3A_23 = tpu.memref_slice %arg2[%dma_start3A_21, %dma_start3A_22] : memref<5120x768xf32, #tpu.memory_space<hbm>> -> memref<5120x768xf32, #tpu.memory_space<hbm>>
    tpu.enqueue_indirect_dma source(%dma_start3A_23 : memref<5120x768xf32, #tpu.memory_space<hbm>>) target(%arg8 : memref<32x768xf32, #tpu.memory_space<vmem>>) offsets(%dma_start3A_20 : memref<32xi32, #tpu.memory_space<vmem>>) semaphore(%arg12 : memref<!tpu.dma_semaphore, #tpu.memory_space<semaphore_mem>>)
    %dma_start3A_24 = arith.constant 2 : i32
    %dma_start3A_25 = arith.constant 0 : i32
    %dma_start3A_26 = tpu.memref_slice %arg6[%dma_start3A_24, %dma_start3A_25] : memref<4x32xi32, #tpu.memory_space<vmem>> -> memref<1x32xi32, #tpu.memory_space<vmem>>
    %dma_start3A_27 = tpu.memref_squeeze %dma_start3A_26 : memref<1x32xi32, #tpu.memory_space<vmem>> -> memref<32xi32, #tpu.memory_space<vmem>>
    %dma_start3A_28 = arith.constant 0 : i32
    %dma_start3A_29 = arith.constant 0 : i32
    %dma_start3A_30 = tpu.memref_slice %arg2[%dma_start3A_28, %dma_start3A_29] : memref<5120x768xf32, #tpu.memory_space<hbm>> -> memref<5120x768xf32, #tpu.memory_space<hbm>>
    tpu.enqueue_indirect_dma source(%dma_start3A_30 : memref<5120x768xf32, #tpu.memory_space<hbm>>) target(%arg9 : memref<32x768xf32, #tpu.memory_space<vmem>>) offsets(%dma_start3A_27 : memref<32xi32, #tpu.memory_space<vmem>>) semaphore(%arg12 : memref<!tpu.dma_semaphore, #tpu.memory_space<semaphore_mem>>)
    %dma_start3A_31 = arith.constant 1 : i32
    %dma_start3A_32 = arith.constant 0 : i32
    %dma_start3A_33 = tpu.memref_slice %arg6[%dma_start3A_31, %dma_start3A_32] : memref<4x32xi32, #tpu.memory_space<vmem>> -> memref<1x32xi32, #tpu.memory_space<vmem>>
    %dma_start3A_34 = tpu.memref_squeeze %dma_start3A_33 : memref<1x32xi32, #tpu.memory_space<vmem>> -> memref<32xi32, #tpu.memory_space<vmem>>
    %dma_start3A_35 = arith.constant 0 : i32
    %dma_start3A_36 = arith.constant 0 : i32
    %dma_start3A_37 = tpu.memref_slice %arg2[%dma_start3A_35, %dma_start3A_36] : memref<5120x768xf32, #tpu.memory_space<hbm>> -> memref<5120x768xf32, #tpu.memory_space<hbm>>
    tpu.enqueue_indirect_dma source(%dma_start3A_37 : memref<5120x768xf32, #tpu.memory_space<hbm>>) target(%arg10 : memref<32x768xf32, #tpu.memory_space<vmem>>) offsets(%dma_start3A_34 : memref<32xi32, #tpu.memory_space<vmem>>) semaphore(%arg13 : memref<!tpu.dma_semaphore, #tpu.memory_space<semaphore_mem>>)
    %dma_start3A_38 = arith.constant 3 : i32
    %dma_start3A_39 = arith.constant 0 : i32
    %dma_start3A_40 = tpu.memref_slice %arg6[%dma_start3A_38, %dma_start3A_39] : memref<4x32xi32, #tpu.memory_space<vmem>> -> memref<1x32xi32, #tpu.memory_space<vmem>>
    %dma_start3A_41 = tpu.memref_squeeze %dma_start3A_40 : memref<1x32xi32, #tpu.memory_space<vmem>> -> memref<32xi32, #tpu.memory_space<vmem>>
    %dma_start3A_42 = arith.constant 0 : i32
    %dma_start3A_43 = arith.constant 0 : i32
    %dma_start3A_44 = tpu.memref_slice %arg2[%dma_start3A_42, %dma_start3A_43] : memref<5120x768xf32, #tpu.memory_space<hbm>> -> memref<5120x768xf32, #tpu.memory_space<hbm>>
    tpu.enqueue_indirect_dma source(%dma_start3A_44 : memref<5120x768xf32, #tpu.memory_space<hbm>>) target(%arg11 : memref<32x768xf32, #tpu.memory_space<vmem>>) offsets(%dma_start3A_41 : memref<32xi32, #tpu.memory_space<vmem>>) semaphore(%arg13 : memref<!tpu.dma_semaphore, #tpu.memory_space<semaphore_mem>>)
    %broadcast_in_dim3A = arith.constant 0.000000e+00 : f32
    %broadcast_in_dim3A_45 = vector.broadcast %broadcast_in_dim3A : f32 to vector<16xf32>
    %dma_wait3A = arith.constant 0 : i32
    %dma_wait3A_46 = arith.constant 0 : i32
    %dma_wait3A_47 = tpu.memref_slice %arg6[%dma_wait3A, %dma_wait3A_46] : memref<4x32xi32, #tpu.memory_space<vmem>> -> memref<1x32xi32, #tpu.memory_space<vmem>>
    %dma_wait3A_48 = tpu.memref_squeeze %dma_wait3A_47 : memref<1x32xi32, #tpu.memory_space<vmem>> -> memref<32xi32, #tpu.memory_space<vmem>>
    %dma_wait3A_49 = arith.constant 0 : i32
    %dma_wait3A_50 = arith.constant 0 : i32
    %dma_wait3A_51 = tpu.memref_slice %arg2[%dma_wait3A_49, %dma_wait3A_50] : memref<5120x768xf32, #tpu.memory_space<hbm>> -> memref<5120x768xf32, #tpu.memory_space<hbm>>
    tpu.wait_indirect_dma semaphore(%arg12 : memref<!tpu.dma_semaphore, #tpu.memory_space<semaphore_mem>>) src(%dma_wait3A_51 : memref<5120x768xf32, #tpu.memory_space<hbm>>) dst(%arg8 : memref<32x768xf32, #tpu.memory_space<vmem>>)
    %dma_wait3A_52 = arith.constant 2 : i32
    %dma_wait3A_53 = arith.constant 0 : i32
    %dma_wait3A_54 = tpu.memref_slice %arg6[%dma_wait3A_52, %dma_wait3A_53] : memref<4x32xi32, #tpu.memory_space<vmem>> -> memref<1x32xi32, #tpu.memory_space<vmem>>
    %dma_wait3A_55 = tpu.memref_squeeze %dma_wait3A_54 : memref<1x32xi32, #tpu.memory_space<vmem>> -> memref<32xi32, #tpu.memory_space<vmem>>
    %dma_wait3A_56 = arith.constant 0 : i32
    %dma_wait3A_57 = arith.constant 0 : i32
    %dma_wait3A_58 = tpu.memref_slice %arg2[%dma_wait3A_56, %dma_wait3A_57] : memref<5120x768xf32, #tpu.memory_space<hbm>> -> memref<5120x768xf32, #tpu.memory_space<hbm>>
    tpu.wait_indirect_dma semaphore(%arg12 : memref<!tpu.dma_semaphore, #tpu.memory_space<semaphore_mem>>) src(%dma_wait3A_58 : memref<5120x768xf32, #tpu.memory_space<hbm>>) dst(%arg9 : memref<32x768xf32, #tpu.memory_space<vmem>>)
    %scan3A = arith.constant 0 : i32
    %scan3A_59 = arith.constant 0 : i32
    %scan3A_60 = arith.constant 32 : i32
    %scan3A_61 = arith.addi %scan3A_59, %scan3A_60 : i32
    %scan3A_62 = arith.constant 1 : i32
    %scan3A_63 = scf.for %scan3A_104 = %scan3A_59 to %scan3A_61 step %scan3A_62 iter_args(%scan3A_105 = %scan3A) -> (i32)  : i32 {
      %add3A_106 = arith.constant 0 : i32
      %add3A_107 = arith.addi %add3A_106, %scan3A_104 : i32
      %get3A = arith.constant 0 : i32
      %get3A_108 = arith.index_cast %get3A : i32 to index
      %get3A_109 = arith.index_cast %add3A_107 : i32 to index
      %get3A_110 = arith.constant 0 : index
      %get3A_111 = tpu.vector_load %arg7[%get3A_108, %get3A_109, %get3A_110] {strides = array<i32>} : memref<2x64x16xf32, #tpu.memory_space<vmem>>, vector<1x1x16xf32>,
      %get3A_112 = vector.shape_cast %get3A_111 : vector<1x1x16xf32> to vector<16xf32>
      %add3A_113 = arith.constant 0 : i32
      %add3A_114 = arith.addi %add3A_113, %scan3A_104 : i32
      %get3A_115 = arith.constant 1 : i32
      %get3A_116 = arith.index_cast %get3A_115 : i32 to index
      %get3A_117 = arith.index_cast %add3A_114 : i32 to index
      %get3A_118 = arith.constant 0 : index
      %get3A_119 = tpu.vector_load %arg7[%get3A_116, %get3A_117, %get3A_118] {strides = array<i32>} : memref<2x64x16xf32, #tpu.memory_space<vmem>>, vector<1x1x16xf32>,
      %get3A_120 = vector.shape_cast %get3A_119 : vector<1x1x16xf32> to vector<16xf32>
      %scan3A_121 = arith.constant 0 : i32
      %scan3A_122 = arith.constant 0 : i32
      %scan3A_123 = arith.constant 12 : i32
      %scan3A_124 = arith.addi %scan3A_122, %scan3A_123 : i32
      %scan3A_125 = arith.constant 1 : i32
      %scan3A_126 = scf.for %scan3A_129 = %scan3A_122 to %scan3A_124 step %scan3A_125 iter_args(%scan3A_130 = %scan3A_121) -> (i32)  : i32 {
        %mul3A_131 = arith.constant 64 : i32
        %mul3A_132 = arith.muli %scan3A_129, %mul3A_131 : i32
        %add3A_133 = arith.constant 0 : i32
        %add3A_134 = arith.addi %mul3A_132, %add3A_133 : i32
        %gt3A = arith.constant 0.000000e+00 : f32
        %gt3A_135 = vector.broadcast %gt3A : f32 to vector<16xf32>
        %gt3A_136 = arith.cmpf ogt, %get3A_112, %gt3A_135 : vector<16xf32>
        %get3A_137 = arith.index_cast %scan3A_104 : i32 to index
        %get3A_138 = arith.index_cast %add3A_134 : i32 to index
        %get3A_139 = tpu.vector_load %arg8[%get3A_137, %get3A_138] {strides = array<i32>} : memref<32x768xf32, #tpu.memory_space<vmem>>, vector<1x16xf32>,
        %get3A_140 = vector.shape_cast %get3A_139 : vector<1x16xf32> to vector<16xf32>
        %mul3A_141 = arith.mulf %get3A_140, %get3A_112 : vector<16xf32>
        %select_n3A = arith.select %gt3A_136, %mul3A_141, %broadcast_in_dim3A_45 : vector<16xi1>, vector<16xf32>
        %gt3A_142 = arith.constant 0.000000e+00 : f32
        %gt3A_143 = vector.broadcast %gt3A_142 : f32 to vector<16xf32>
        %gt3A_144 = arith.cmpf ogt, %get3A_120, %gt3A_143 : vector<16xf32>
        %get3A_145 = arith.index_cast %scan3A_104 : i32 to index
        %get3A_146 = arith.index_cast %add3A_134 : i32 to index
        %get3A_147 = tpu.vector_load %arg9[%get3A_145, %get3A_146] {strides = array<i32>} : memref<32x768xf32, #tpu.memory_space<vmem>>, vector<1x16xf32>,
        %get3A_148 = vector.shape_cast %get3A_147 : vector<1x16xf32> to vector<16xf32>
        %mul3A_149 = arith.mulf %get3A_148, %get3A_120 : vector<16xf32>
        %select_n3A_150 = arith.select %gt3A_144, %mul3A_149, %broadcast_in_dim3A_45 : vector<16xi1>, vector<16xf32>
        %add3A_151 = arith.addf %select_n3A, %select_n3A_150 : vector<16xf32>
        %swap3A = arith.index_cast %scan3A_104 : i32 to index
        %swap3A_152 = arith.index_cast %add3A_134 : i32 to index
        %swap3A_153 = tpu.vector_load %arg8[%swap3A, %swap3A_152] {strides = array<i32>} : memref<32x768xf32, #tpu.memory_space<vmem>>, vector<1x16xf32>,
        %swap3A_154 = vector.shape_cast %swap3A_153 : vector<1x16xf32> to vector<16xf32>
        %swap3A_155 = vector.shape_cast %add3A_151 : vector<16xf32> to vector<1x16xf32>
        tpu.vector_store %arg8[%swap3A, %swap3A_152], %swap3A_155 {strides = array<i32>} : memref<32x768xf32, #tpu.memory_space<vmem>>, vector<1x16xf32>,
        %mul3A_156 = arith.constant 64 : i32
        %mul3A_157 = arith.muli %scan3A_129, %mul3A_156 : i32
        %add3A_158 = arith.constant 16 : i32
        %add3A_159 = arith.addi %mul3A_157, %add3A_158 : i32
        %gt3A_160 = arith.constant 0.000000e+00 : f32
        %gt3A_161 = vector.broadcast %gt3A_160 : f32 to vector<16xf32>
        %gt3A_162 = arith.cmpf ogt, %get3A_112, %gt3A_161 : vector<16xf32>
        %get3A_163 = arith.index_cast %scan3A_104 : i32 to index
        %get3A_164 = arith.index_cast %add3A_159 : i32 to index
        %get3A_165 = tpu.vector_load %arg8[%get3A_163, %get3A_164] {strides = array<i32>} : memref<32x768xf32, #tpu.memory_space<vmem>>, vector<1x16xf32>,
        %get3A_166 = vector.shape_cast %get3A_165 : vector<1x16xf32> to vector<16xf32>
        %mul3A_167 = arith.mulf %get3A_166, %get3A_112 : vector<16xf32>
        %select_n3A_168 = arith.select %gt3A_162, %mul3A_167, %broadcast_in_dim3A_45 : vector<16xi1>, vector<16xf32>
        %gt3A_169 = arith.constant 0.000000e+00 : f32
        %gt3A_170 = vector.broadcast %gt3A_169 : f32 to vector<16xf32>
        %gt3A_171 = arith.cmpf ogt, %get3A_120, %gt3A_170 : vector<16xf32>
        %get3A_172 = arith.index_cast %scan3A_104 : i32 to index
        %get3A_173 = arith.index_cast %add3A_159 : i32 to index
        %get3A_174 = tpu.vector_load %arg9[%get3A_172, %get3A_173] {strides = array<i32>} : memref<32x768xf32, #tpu.memory_space<vmem>>, vector<1x16xf32>,
        %get3A_175 = vector.shape_cast %get3A_174 : vector<1x16xf32> to vector<16xf32>
        %mul3A_176 = arith.mulf %get3A_175, %get3A_120 : vector<16xf32>
        %select_n3A_177 = arith.select %gt3A_171, %mul3A_176, %broadcast_in_dim3A_45 : vector<16xi1>, vector<16xf32>
        %add3A_178 = arith.addf %select_n3A_168, %select_n3A_177 : vector<16xf32>
        %swap3A_179 = arith.index_cast %scan3A_104 : i32 to index
        %swap3A_180 = arith.index_cast %add3A_159 : i32 to index
        %swap3A_181 = tpu.vector_load %arg8[%swap3A_179, %swap3A_180] {strides = array<i32>} : memref<32x768xf32, #tpu.memory_space<vmem>>, vector<1x16xf32>,
        %swap3A_182 = vector.shape_cast %swap3A_181 : vector<1x16xf32> to vector<16xf32>
        %swap3A_183 = vector.shape_cast %add3A_178 : vector<16xf32> to vector<1x16xf32>
        tpu.vector_store %arg8[%swap3A_179, %swap3A_180], %swap3A_183 {strides = array<i32>} : memref<32x768xf32, #tpu.memory_space<vmem>>, vector<1x16xf32>,
        %mul3A_184 = arith.constant 64 : i32
        %mul3A_185 = arith.muli %scan3A_129, %mul3A_184 : i32
        %add3A_186 = arith.constant 32 : i32
        %add3A_187 = arith.addi %mul3A_185, %add3A_186 : i32
        %gt3A_188 = arith.constant 0.000000e+00 : f32
        %gt3A_189 = vector.broadcast %gt3A_188 : f32 to vector<16xf32>
        %gt3A_190 = arith.cmpf ogt, %get3A_112, %gt3A_189 : vector<16xf32>
        %get3A_191 = arith.index_cast %scan3A_104 : i32 to index
        %get3A_192 = arith.index_cast %add3A_187 : i32 to index
        %get3A_193 = tpu.vector_load %arg8[%get3A_191, %get3A_192] {strides = array<i32>} : memref<32x768xf32, #tpu.memory_space<vmem>>, vector<1x16xf32>,
        %get3A_194 = vector.shape_cast %get3A_193 : vector<1x16xf32> to vector<16xf32>
        %mul3A_195 = arith.mulf %get3A_194, %get3A_112 : vector<16xf32>
        %select_n3A_196 = arith.select %gt3A_190, %mul3A_195, %broadcast_in_dim3A_45 : vector<16xi1>, vector<16xf32>
        %gt3A_197 = arith.constant 0.000000e+00 : f32
        %gt3A_198 = vector.broadcast %gt3A_197 : f32 to vector<16xf32>
        %gt3A_199 = arith.cmpf ogt, %get3A_120, %gt3A_198 : vector<16xf32>
        %get3A_200 = arith.index_cast %scan3A_104 : i32 to index
        %get3A_201 = arith.index_cast %add3A_187 : i32 to index
        %get3A_202 = tpu.vector_load %arg9[%get3A_200, %get3A_201] {strides = array<i32>} : memref<32x768xf32, #tpu.memory_space<vmem>>, vector<1x16xf32>,
        %get3A_203 = vector.shape_cast %get3A_202 : vector<1x16xf32> to vector<16xf32>
        %mul3A_204 = arith.mulf %get3A_203, %get3A_120 : vector<16xf32>
        %select_n3A_205 = arith.select %gt3A_199, %mul3A_204, %broadcast_in_dim3A_45 : vector<16xi1>, vector<16xf32>
        %add3A_206 = arith.addf %select_n3A_196, %select_n3A_205 : vector<16xf32>
        %swap3A_207 = arith.index_cast %scan3A_104 : i32 to index
        %swap3A_208 = arith.index_cast %add3A_187 : i32 to index
        %swap3A_209 = tpu.vector_load %arg8[%swap3A_207, %swap3A_208] {strides = array<i32>} : memref<32x768xf32, #tpu.memory_space<vmem>>, vector<1x16xf32>,
        %swap3A_210 = vector.shape_cast %swap3A_209 : vector<1x16xf32> to vector<16xf32>
        %swap3A_211 = vector.shape_cast %add3A_206 : vector<16xf32> to vector<1x16xf32>
        tpu.vector_store %arg8[%swap3A_207, %swap3A_208], %swap3A_211 {strides = array<i32>} : memref<32x768xf32, #tpu.memory_space<vmem>>, vector<1x16xf32>,
        %mul3A_212 = arith.constant 64 : i32
        %mul3A_213 = arith.muli %scan3A_129, %mul3A_212 : i32
        %add3A_214 = arith.constant 48 : i32
        %add3A_215 = arith.addi %mul3A_213, %add3A_214 : i32
        %gt3A_216 = arith.constant 0.000000e+00 : f32
        %gt3A_217 = vector.broadcast %gt3A_216 : f32 to vector<16xf32>
        %gt3A_218 = arith.cmpf ogt, %get3A_112, %gt3A_217 : vector<16xf32>
        %get3A_219 = arith.index_cast %scan3A_104 : i32 to index
        %get3A_220 = arith.index_cast %add3A_215 : i32 to index
        %get3A_221 = tpu.vector_load %arg8[%get3A_219, %get3A_220] {strides = array<i32>} : memref<32x768xf32, #tpu.memory_space<vmem>>, vector<1x16xf32>,
        %get3A_222 = vector.shape_cast %get3A_221 : vector<1x16xf32> to vector<16xf32>
        %mul3A_223 = arith.mulf %get3A_222, %get3A_112 : vector<16xf32>
        %select_n3A_224 = arith.select %gt3A_218, %mul3A_223, %broadcast_in_dim3A_45 : vector<16xi1>, vector<16xf32>
        %gt3A_225 = arith.constant 0.000000e+00 : f32
        %gt3A_226 = vector.broadcast %gt3A_225 : f32 to vector<16xf32>
        %gt3A_227 = arith.cmpf ogt, %get3A_120, %gt3A_226 : vector<16xf32>
        %get3A_228 = arith.index_cast %scan3A_104 : i32 to index
        %get3A_229 = arith.index_cast %add3A_215 : i32 to index
        %get3A_230 = tpu.vector_load %arg9[%get3A_228, %get3A_229] {strides = array<i32>} : memref<32x768xf32, #tpu.memory_space<vmem>>, vector<1x16xf32>,
        %get3A_231 = vector.shape_cast %get3A_230 : vector<1x16xf32> to vector<16xf32>
        %mul3A_232 = arith.mulf %get3A_231, %get3A_120 : vector<16xf32>
        %select_n3A_233 = arith.select %gt3A_227, %mul3A_232, %broadcast_in_dim3A_45 : vector<16xi1>, vector<16xf32>
        %add3A_234 = arith.addf %select_n3A_224, %select_n3A_233 : vector<16xf32>
        %swap3A_235 = arith.index_cast %scan3A_104 : i32 to index
        %swap3A_236 = arith.index_cast %add3A_215 : i32 to index
        %swap3A_237 = tpu.vector_load %arg8[%swap3A_235, %swap3A_236] {strides = array<i32>} : memref<32x768xf32, #tpu.memory_space<vmem>>, vector<1x16xf32>,
        %swap3A_238 = vector.shape_cast %swap3A_237 : vector<1x16xf32> to vector<16xf32>
        %swap3A_239 = vector.shape_cast %add3A_234 : vector<16xf32> to vector<1x16xf32>
        tpu.vector_store %arg8[%swap3A_235, %swap3A_236], %swap3A_239 {strides = array<i32>} : memref<32x768xf32, #tpu.memory_space<vmem>>, vector<1x16xf32>,
        %scan3A_240 = arith.constant 0 : i32
        scf.yield %scan3A_240 : i32
      }
      %scan3A_127 = arith.constant 12 : i32
      %scan3A_128 = arith.constant 0 : i32
      scf.yield %scan3A_128 : i32
    }
    %scan3A_64 = arith.constant 32 : i32
    %dma_start3A_65 = arith.constant 0 : i32
    %dma_start3A_66 = tpu.memref_slice %arg5[%mul3A_2, %dma_start3A_65] : memref<2048x768xf32, #tpu.memory_space<hbm>> -> memref<32x768xf32, #tpu.memory_space<hbm>>
    %dma_start3A_67 = arith.constant 0 : i32
    %dma_start3A_68 = tpu.memref_slice %arg5[%mul3A_2, %dma_start3A_67] : memref<2048x768xf32, #tpu.memory_space<hbm>> -> memref<32x768xf32, #tpu.memory_space<hbm>>
    tpu.enqueue_dma source(%arg8 : memref<32x768xf32, #tpu.memory_space<vmem>>) target(%dma_start3A_68 : memref<32x768xf32, #tpu.memory_space<hbm>>) target_semaphore(%arg14 : memref<!tpu.dma_semaphore, #tpu.memory_space<semaphore_mem>>)
    %dma_wait3A_69 = arith.constant 1 : i32
    %dma_wait3A_70 = arith.constant 0 : i32
    %dma_wait3A_71 = tpu.memref_slice %arg6[%dma_wait3A_69, %dma_wait3A_70] : memref<4x32xi32, #tpu.memory_space<vmem>> -> memref<1x32xi32, #tpu.memory_space<vmem>>
    %dma_wait3A_72 = tpu.memref_squeeze %dma_wait3A_71 : memref<1x32xi32, #tpu.memory_space<vmem>> -> memref<32xi32, #tpu.memory_space<vmem>>
    %dma_wait3A_73 = arith.constant 0 : i32
    %dma_wait3A_74 = arith.constant 0 : i32
    %dma_wait3A_75 = tpu.memref_slice %arg2[%dma_wait3A_73, %dma_wait3A_74] : memref<5120x768xf32, #tpu.memory_space<hbm>> -> memref<5120x768xf32, #tpu.memory_space<hbm>>
    tpu.wait_indirect_dma semaphore(%arg13 : memref<!tpu.dma_semaphore, #tpu.memory_space<semaphore_mem>>) src(%dma_wait3A_75 : memref<5120x768xf32, #tpu.memory_space<hbm>>) dst(%arg10 : memref<32x768xf32, #tpu.memory_space<vmem>>)
    %dma_wait3A_76 = arith.constant 3 : i32
    %dma_wait3A_77 = arith.constant 0 : i32
    %dma_wait3A_78 = tpu.memref_slice %arg6[%dma_wait3A_76, %dma_wait3A_77] : memref<4x32xi32, #tpu.memory_space<vmem>> -> memref<1x32xi32, #tpu.memory_space<vmem>>
    %dma_wait3A_79 = tpu.memref_squeeze %dma_wait3A_78 : memref<1x32xi32, #tpu.memory_space<vmem>> -> memref<32xi32, #tpu.memory_space<vmem>>
    %dma_wait3A_80 = arith.constant 0 : i32
    %dma_wait3A_81 = arith.constant 0 : i32
    %dma_wait3A_82 = tpu.memref_slice %arg2[%dma_wait3A_80, %dma_wait3A_81] : memref<5120x768xf32, #tpu.memory_space<hbm>> -> memref<5120x768xf32, #tpu.memory_space<hbm>>
    tpu.wait_indirect_dma semaphore(%arg13 : memref<!tpu.dma_semaphore, #tpu.memory_space<semaphore_mem>>) src(%dma_wait3A_82 : memref<5120x768xf32, #tpu.memory_space<hbm>>) dst(%arg11 : memref<32x768xf32, #tpu.memory_space<vmem>>)
    %scan3A_83 = arith.constant 0 : i32
    %scan3A_84 = arith.constant 0 : i32
    %scan3A_85 = arith.constant 32 : i32
    %scan3A_86 = arith.addi %scan3A_84, %scan3A_85 : i32
    %scan3A_87 = arith.constant 1 : i32
    %scan3A_88 = scf.for %scan3A_104 = %scan3A_84 to %scan3A_86 step %scan3A_87 iter_args(%scan3A_105 = %scan3A_83) -> (i32)  : i32 {
      %add3A_106 = arith.constant 32 : i32
      %add3A_107 = arith.addi %add3A_106, %scan3A_104 : i32
      %get3A = arith.constant 0 : i32
      %get3A_108 = arith.index_cast %get3A : i32 to index
      %get3A_109 = arith.index_cast %add3A_107 : i32 to index
      %get3A_110 = arith.constant 0 : index
      %get3A_111 = tpu.vector_load %arg7[%get3A_108, %get3A_109, %get3A_110] {strides = array<i32>} : memref<2x64x16xf32, #tpu.memory_space<vmem>>, vector<1x1x16xf32>,
      %get3A_112 = vector.shape_cast %get3A_111 : vector<1x1x16xf32> to vector<16xf32>
      %add3A_113 = arith.constant 32 : i32
      %add3A_114 = arith.addi %add3A_113, %scan3A_104 : i32
      %get3A_115 = arith.constant 1 : i32
      %get3A_116 = arith.index_cast %get3A_115 : i32 to index
      %get3A_117 = arith.index_cast %add3A_114 : i32 to index
      %get3A_118 = arith.constant 0 : index
      %get3A_119 = tpu.vector_load %arg7[%get3A_116, %get3A_117, %get3A_118] {strides = array<i32>} : memref<2x64x16xf32, #tpu.memory_space<vmem>>, vector<1x1x16xf32>,
      %get3A_120 = vector.shape_cast %get3A_119 : vector<1x1x16xf32> to vector<16xf32>
      %scan3A_121 = arith.constant 0 : i32
      %scan3A_122 = arith.constant 0 : i32
      %scan3A_123 = arith.constant 12 : i32
      %scan3A_124 = arith.addi %scan3A_122, %scan3A_123 : i32
      %scan3A_125 = arith.constant 1 : i32
      %scan3A_126 = scf.for %scan3A_129 = %scan3A_122 to %scan3A_124 step %scan3A_125 iter_args(%scan3A_130 = %scan3A_121) -> (i32)  : i32 {
        %mul3A_131 = arith.constant 64 : i32
        %mul3A_132 = arith.muli %scan3A_129, %mul3A_131 : i32
        %add3A_133 = arith.constant 0 : i32
        %add3A_134 = arith.addi %mul3A_132, %add3A_133 : i32
        %gt3A = arith.constant 0.000000e+00 : f32
        %gt3A_135 = vector.broadcast %gt3A : f32 to vector<16xf32>
        %gt3A_136 = arith.cmpf ogt, %get3A_112, %gt3A_135 : vector<16xf32>
        %get3A_137 = arith.index_cast %scan3A_104 : i32 to index
        %get3A_138 = arith.index_cast %add3A_134 : i32 to index
        %get3A_139 = tpu.vector_load %arg10[%get3A_137, %get3A_138] {strides = array<i32>} : memref<32x768xf32, #tpu.memory_space<vmem>>, vector<1x16xf32>,
        %get3A_140 = vector.shape_cast %get3A_139 : vector<1x16xf32> to vector<16xf32>
        %mul3A_141 = arith.mulf %get3A_140, %get3A_112 : vector<16xf32>
        %select_n3A = arith.select %gt3A_136, %mul3A_141, %broadcast_in_dim3A_45 : vector<16xi1>, vector<16xf32>
        %gt3A_142 = arith.constant 0.000000e+00 : f32
        %gt3A_143 = vector.broadcast %gt3A_142 : f32 to vector<16xf32>
        %gt3A_144 = arith.cmpf ogt, %get3A_120, %gt3A_143 : vector<16xf32>
        %get3A_145 = arith.index_cast %scan3A_104 : i32 to index
        %get3A_146 = arith.index_cast %add3A_134 : i32 to index
        %get3A_147 = tpu.vector_load %arg11[%get3A_145, %get3A_146] {strides = array<i32>} : memref<32x768xf32, #tpu.memory_space<vmem>>, vector<1x16xf32>,
        %get3A_148 = vector.shape_cast %get3A_147 : vector<1x16xf32> to vector<16xf32>
        %mul3A_149 = arith.mulf %get3A_148, %get3A_120 : vector<16xf32>
        %select_n3A_150 = arith.select %gt3A_144, %mul3A_149, %broadcast_in_dim3A_45 : vector<16xi1>, vector<16xf32>
        %add3A_151 = arith.addf %select_n3A, %select_n3A_150 : vector<16xf32>
        %swap3A = arith.index_cast %scan3A_104 : i32 to index
        %swap3A_152 = arith.index_cast %add3A_134 : i32 to index
        %swap3A_153 = tpu.vector_load %arg10[%swap3A, %swap3A_152] {strides = array<i32>} : memref<32x768xf32, #tpu.memory_space<vmem>>, vector<1x16xf32>,
        %swap3A_154 = vector.shape_cast %swap3A_153 : vector<1x16xf32> to vector<16xf32>
        %swap3A_155 = vector.shape_cast %add3A_151 : vector<16xf32> to vector<1x16xf32>
        tpu.vector_store %arg10[%swap3A, %swap3A_152], %swap3A_155 {strides = array<i32>} : memref<32x768xf32, #tpu.memory_space<vmem>>, vector<1x16xf32>,
        %mul3A_156 = arith.constant 64 : i32
        %mul3A_157 = arith.muli %scan3A_129, %mul3A_156 : i32
        %add3A_158 = arith.constant 16 : i32
        %add3A_159 = arith.addi %mul3A_157, %add3A_158 : i32
        %gt3A_160 = arith.constant 0.000000e+00 : f32
        %gt3A_161 = vector.broadcast %gt3A_160 : f32 to vector<16xf32>
        %gt3A_162 = arith.cmpf ogt, %get3A_112, %gt3A_161 : vector<16xf32>
        %get3A_163 = arith.index_cast %scan3A_104 : i32 to index
        %get3A_164 = arith.index_cast %add3A_159 : i32 to index
        %get3A_165 = tpu.vector_load %arg10[%get3A_163, %get3A_164] {strides = array<i32>} : memref<32x768xf32, #tpu.memory_space<vmem>>, vector<1x16xf32>,
        %get3A_166 = vector.shape_cast %get3A_165 : vector<1x16xf32> to vector<16xf32>
        %mul3A_167 = arith.mulf %get3A_166, %get3A_112 : vector<16xf32>
        %select_n3A_168 = arith.select %gt3A_162, %mul3A_167, %broadcast_in_dim3A_45 : vector<16xi1>, vector<16xf32>
        %gt3A_169 = arith.constant 0.000000e+00 : f32
        %gt3A_170 = vector.broadcast %gt3A_169 : f32 to vector<16xf32>
        %gt3A_171 = arith.cmpf ogt, %get3A_120, %gt3A_170 : vector<16xf32>
        %get3A_172 = arith.index_cast %scan3A_104 : i32 to index
        %get3A_173 = arith.index_cast %add3A_159 : i32 to index
        %get3A_174 = tpu.vector_load %arg11[%get3A_172, %get3A_173] {strides = array<i32>} : memref<32x768xf32, #tpu.memory_space<vmem>>, vector<1x16xf32>,
        %get3A_175 = vector.shape_cast %get3A_174 : vector<1x16xf32> to vector<16xf32>
        %mul3A_176 = arith.mulf %get3A_175, %get3A_120 : vector<16xf32>
        %select_n3A_177 = arith.select %gt3A_171, %mul3A_176, %broadcast_in_dim3A_45 : vector<16xi1>, vector<16xf32>
        %add3A_178 = arith.addf %select_n3A_168, %select_n3A_177 : vector<16xf32>
        %swap3A_179 = arith.index_cast %scan3A_104 : i32 to index
        %swap3A_180 = arith.index_cast %add3A_159 : i32 to index
        %swap3A_181 = tpu.vector_load %arg10[%swap3A_179, %swap3A_180] {strides = array<i32>} : memref<32x768xf32, #tpu.memory_space<vmem>>, vector<1x16xf32>,
        %swap3A_182 = vector.shape_cast %swap3A_181 : vector<1x16xf32> to vector<16xf32>
        %swap3A_183 = vector.shape_cast %add3A_178 : vector<16xf32> to vector<1x16xf32>
        tpu.vector_store %arg10[%swap3A_179, %swap3A_180], %swap3A_183 {strides = array<i32>} : memref<32x768xf32, #tpu.memory_space<vmem>>, vector<1x16xf32>,
        %mul3A_184 = arith.constant 64 : i32
        %mul3A_185 = arith.muli %scan3A_129, %mul3A_184 : i32
        %add3A_186 = arith.constant 32 : i32
        %add3A_187 = arith.addi %mul3A_185, %add3A_186 : i32
        %gt3A_188 = arith.constant 0.000000e+00 : f32
        %gt3A_189 = vector.broadcast %gt3A_188 : f32 to vector<16xf32>
        %gt3A_190 = arith.cmpf ogt, %get3A_112, %gt3A_189 : vector<16xf32>
        %get3A_191 = arith.index_cast %scan3A_104 : i32 to index
        %get3A_192 = arith.index_cast %add3A_187 : i32 to index
        %get3A_193 = tpu.vector_load %arg10[%get3A_191, %get3A_192] {strides = array<i32>} : memref<32x768xf32, #tpu.memory_space<vmem>>, vector<1x16xf32>,
        %get3A_194 = vector.shape_cast %get3A_193 : vector<1x16xf32> to vector<16xf32>
        %mul3A_195 = arith.mulf %get3A_194, %get3A_112 : vector<16xf32>
        %select_n3A_196 = arith.select %gt3A_190, %mul3A_195, %broadcast_in_dim3A_45 : vector<16xi1>, vector<16xf32>
        %gt3A_197 = arith.constant 0.000000e+00 : f32
        %gt3A_198 = vector.broadcast %gt3A_197 : f32 to vector<16xf32>
        %gt3A_199 = arith.cmpf ogt, %get3A_120, %gt3A_198 : vector<16xf32>
        %get3A_200 = arith.index_cast %scan3A_104 : i32 to index
        %get3A_201 = arith.index_cast %add3A_187 : i32 to index
        %get3A_202 = tpu.vector_load %arg11[%get3A_200, %get3A_201] {strides = array<i32>} : memref<32x768xf32, #tpu.memory_space<vmem>>, vector<1x16xf32>,
        %get3A_203 = vector.shape_cast %get3A_202 : vector<1x16xf32> to vector<16xf32>
        %mul3A_204 = arith.mulf %get3A_203, %get3A_120 : vector<16xf32>
        %select_n3A_205 = arith.select %gt3A_199, %mul3A_204, %broadcast_in_dim3A_45 : vector<16xi1>, vector<16xf32>
        %add3A_206 = arith.addf %select_n3A_196, %select_n3A_205 : vector<16xf32>
        %swap3A_207 = arith.index_cast %scan3A_104 : i32 to index
        %swap3A_208 = arith.index_cast %add3A_187 : i32 to index
        %swap3A_209 = tpu.vector_load %arg10[%swap3A_207, %swap3A_208] {strides = array<i32>} : memref<32x768xf32, #tpu.memory_space<vmem>>, vector<1x16xf32>,
        %swap3A_210 = vector.shape_cast %swap3A_209 : vector<1x16xf32> to vector<16xf32>
        %swap3A_211 = vector.shape_cast %add3A_206 : vector<16xf32> to vector<1x16xf32>
        tpu.vector_store %arg10[%swap3A_207, %swap3A_208], %swap3A_211 {strides = array<i32>} : memref<32x768xf32, #tpu.memory_space<vmem>>, vector<1x16xf32>,
        %mul3A_212 = arith.constant 64 : i32
        %mul3A_213 = arith.muli %scan3A_129, %mul3A_212 : i32
        %add3A_214 = arith.constant 48 : i32
        %add3A_215 = arith.addi %mul3A_213, %add3A_214 : i32
        %gt3A_216 = arith.constant 0.000000e+00 : f32
        %gt3A_217 = vector.broadcast %gt3A_216 : f32 to vector<16xf32>
        %gt3A_218 = arith.cmpf ogt, %get3A_112, %gt3A_217 : vector<16xf32>
        %get3A_219 = arith.index_cast %scan3A_104 : i32 to index
        %get3A_220 = arith.index_cast %add3A_215 : i32 to index
        %get3A_221 = tpu.vector_load %arg10[%get3A_219, %get3A_220] {strides = array<i32>} : memref<32x768xf32, #tpu.memory_space<vmem>>, vector<1x16xf32>,
        %get3A_222 = vector.shape_cast %get3A_221 : vector<1x16xf32> to vector<16xf32>
        %mul3A_223 = arith.mulf %get3A_222, %get3A_112 : vector<16xf32>
        %select_n3A_224 = arith.select %gt3A_218, %mul3A_223, %broadcast_in_dim3A_45 : vector<16xi1>, vector<16xf32>
        %gt3A_225 = arith.constant 0.000000e+00 : f32
        %gt3A_226 = vector.broadcast %gt3A_225 : f32 to vector<16xf32>
        %gt3A_227 = arith.cmpf ogt, %get3A_120, %gt3A_226 : vector<16xf32>
        %get3A_228 = arith.index_cast %scan3A_104 : i32 to index
        %get3A_229 = arith.index_cast %add3A_215 : i32 to index
        %get3A_230 = tpu.vector_load %arg11[%get3A_228, %get3A_229] {strides = array<i32>} : memref<32x768xf32, #tpu.memory_space<vmem>>, vector<1x16xf32>,
        %get3A_231 = vector.shape_cast %get3A_230 : vector<1x16xf32> to vector<16xf32>
        %mul3A_232 = arith.mulf %get3A_231, %get3A_120 : vector<16xf32>
        %select_n3A_233 = arith.select %gt3A_227, %mul3A_232, %broadcast_in_dim3A_45 : vector<16xi1>, vector<16xf32>
        %add3A_234 = arith.addf %select_n3A_224, %select_n3A_233 : vector<16xf32>
        %swap3A_235 = arith.index_cast %scan3A_104 : i32 to index
        %swap3A_236 = arith.index_cast %add3A_215 : i32 to index
        %swap3A_237 = tpu.vector_load %arg10[%swap3A_235, %swap3A_236] {strides = array<i32>} : memref<32x768xf32, #tpu.memory_space<vmem>>, vector<1x16xf32>,
        %swap3A_238 = vector.shape_cast %swap3A_237 : vector<1x16xf32> to vector<16xf32>
        %swap3A_239 = vector.shape_cast %add3A_234 : vector<16xf32> to vector<1x16xf32>
        tpu.vector_store %arg10[%swap3A_235, %swap3A_236], %swap3A_239 {strides = array<i32>} : memref<32x768xf32, #tpu.memory_space<vmem>>, vector<1x16xf32>,
        %scan3A_240 = arith.constant 0 : i32
        scf.yield %scan3A_240 : i32
      }
      %scan3A_127 = arith.constant 12 : i32
      %scan3A_128 = arith.constant 0 : i32
      scf.yield %scan3A_128 : i32
    }
    %scan3A_89 = arith.constant 32 : i32
    %add3A_90 = arith.constant 32 : i32
    %add3A_91 = arith.addi %mul3A_2, %add3A_90 : i32
    %dma_start3A_92 = arith.constant 0 : i32
    %dma_start3A_93 = tpu.memref_slice %arg5[%add3A_91, %dma_start3A_92] : memref<2048x768xf32, #tpu.memory_space<hbm>> -> memref<32x768xf32, #tpu.memory_space<hbm>>
    %dma_start3A_94 = arith.constant 0 : i32
    %dma_start3A_95 = tpu.memref_slice %arg5[%add3A_91, %dma_start3A_94] : memref<2048x768xf32, #tpu.memory_space<hbm>> -> memref<32x768xf32, #tpu.memory_space<hbm>>
    tpu.enqueue_dma source(%arg10 : memref<32x768xf32, #tpu.memory_space<vmem>>) target(%dma_start3A_95 : memref<32x768xf32, #tpu.memory_space<hbm>>) target_semaphore(%arg14 : memref<!tpu.dma_semaphore, #tpu.memory_space<semaphore_mem>>)
    %dma_wait3A_96 = arith.constant 0 : i32
    %dma_wait3A_97 = tpu.memref_slice %arg5[%mul3A_2, %dma_wait3A_96] : memref<2048x768xf32, #tpu.memory_space<hbm>> -> memref<32x768xf32, #tpu.memory_space<hbm>>
    %dma_wait3A_98 = arith.constant 0 : i32
    %dma_wait3A_99 = tpu.memref_slice %arg5[%mul3A_2, %dma_wait3A_98] : memref<2048x768xf32, #tpu.memory_space<hbm>> -> memref<32x768xf32, #tpu.memory_space<hbm>>
    tpu.wait_dma2 semaphore(%arg14 : memref<!tpu.dma_semaphore, #tpu.memory_space<semaphore_mem>>) src(%arg8 : memref<32x768xf32, #tpu.memory_space<vmem>>) dst(%dma_wait3A_99 : memref<32x768xf32, #tpu.memory_space<hbm>>)
    %dma_wait3A_100 = arith.constant 0 : i32
    %dma_wait3A_101 = tpu.memref_slice %arg5[%add3A_91, %dma_wait3A_100] : memref<2048x768xf32, #tpu.memory_space<hbm>> -> memref<32x768xf32, #tpu.memory_space<hbm>>
    %dma_wait3A_102 = arith.constant 0 : i32
    %dma_wait3A_103 = tpu.memref_slice %arg5[%add3A_91, %dma_wait3A_102] : memref<2048x768xf32, #tpu.memory_space<hbm>> -> memref<32x768xf32, #tpu.memory_space<hbm>>
    tpu.wait_dma2 semaphore(%arg14 : memref<!tpu.dma_semaphore, #tpu.memory_space<semaphore_mem>>) src(%arg10 : memref<32x768xf32, #tpu.memory_space<vmem>>) dst(%dma_wait3A_103 : memref<32x768xf32, #tpu.memory_space<hbm>>)
    return
  }
}

#map = affine_map<(d0, d1) -> (0, 0)>
#map1 = affine_map<(d0, d1) -> (0)>
module attributes {stable_mosaic.version = 14 : i64} {
  func.func @_dispatch_body(%arg0: i32, %arg1: i32, %arg2: memref<2048x768xf32, #tpu.memory_space<hbm>>, %arg3: memref<4096xi32, #tpu.memory_space<hbm>>, %arg4: memref<5248x768xf32, #tpu.memory_space<hbm>>, %arg5: memref<1x128xi32, #tpu.memory_space<vmem>>, %arg6: memref<128x768xf32, #tpu.memory_space<vmem>>, %arg7: memref<!tpu.dma_semaphore, #tpu.memory_space<semaphore_mem>>, %arg8: memref<!tpu.dma_semaphore, #tpu.memory_space<semaphore_mem>>) attributes {dimension_semantics = [#tpu.dimension_semantics<core_parallel>, #tpu.dimension_semantics<subcore_parallel>], iteration_bounds = array<i64: 2, 16>, scalar_prefetch = 0 : i64, scratch_operands = 4 : i64, tpu.core_type = #tpu.core_type<sc_vector_subcore>, window_params = [{transform_indices = #map}, {transform_indices = #map1}, {transform_indices = #map}]} {
    %mul3A = arith.constant 2 : i32
    %mul3A_0 = arith.muli %arg1, %mul3A : i32
    %add3A = arith.addi %mul3A_0, %arg0 : i32
    %mul3A_1 = arith.constant 128 : i32
    %mul3A_2 = arith.muli %add3A, %mul3A_1 : i32
    %rem3A = arith.constant 2048 : i32
    %rem3A_3 = arith.remsi %mul3A_2, %rem3A : i32
    %dma_start3A = arith.constant 0 : i32
    %dma_start3A_4 = arith.constant 0 : i32
    %dma_start3A_5 = tpu.memref_slice %arg5[%dma_start3A, %dma_start3A_4] : memref<1x128xi32, #tpu.memory_space<vmem>> -> memref<1x128xi32, #tpu.memory_space<vmem>>
    %dma_start3A_6 = tpu.memref_squeeze %dma_start3A_5 : memref<1x128xi32, #tpu.memory_space<vmem>> -> memref<128xi32, #tpu.memory_space<vmem>>
    %dma_start3A_7 = tpu.memref_slice %arg3[%mul3A_2] : memref<4096xi32, #tpu.memory_space<hbm>> -> memref<128xi32, #tpu.memory_space<hbm>>
    %dma_start3A_8 = arith.constant 0 : i32
    %dma_start3A_9 = tpu.memref_slice %arg5[%dma_start3A, %dma_start3A_8] : memref<1x128xi32, #tpu.memory_space<vmem>> -> memref<1x128xi32, #tpu.memory_space<vmem>>
    %dma_start3A_10 = tpu.memref_squeeze %dma_start3A_9 : memref<1x128xi32, #tpu.memory_space<vmem>> -> memref<128xi32, #tpu.memory_space<vmem>>
    %dma_start3A_11 = tpu.memref_slice %arg3[%mul3A_2] : memref<4096xi32, #tpu.memory_space<hbm>> -> memref<128xi32, #tpu.memory_space<hbm>>
    tpu.enqueue_dma source(%dma_start3A_11 : memref<128xi32, #tpu.memory_space<hbm>>) target(%dma_start3A_10 : memref<128xi32, #tpu.memory_space<vmem>>) target_semaphore(%arg8 : memref<!tpu.dma_semaphore, #tpu.memory_space<semaphore_mem>>)
    %dma_start3A_12 = arith.constant 0 : i32
    %dma_start3A_13 = tpu.memref_slice %arg2[%rem3A_3, %dma_start3A_12] : memref<2048x768xf32, #tpu.memory_space<hbm>> -> memref<128x768xf32, #tpu.memory_space<hbm>>
    %dma_start3A_14 = arith.constant 0 : i32
    %dma_start3A_15 = tpu.memref_slice %arg2[%rem3A_3, %dma_start3A_14] : memref<2048x768xf32, #tpu.memory_space<hbm>> -> memref<128x768xf32, #tpu.memory_space<hbm>>
    tpu.enqueue_dma source(%dma_start3A_15 : memref<128x768xf32, #tpu.memory_space<hbm>>) target(%arg6 : memref<128x768xf32, #tpu.memory_space<vmem>>) target_semaphore(%arg7 : memref<!tpu.dma_semaphore, #tpu.memory_space<semaphore_mem>>)
    %dma_wait3A = arith.constant 0 : i32
    %dma_wait3A_16 = arith.constant 0 : i32
    %dma_wait3A_17 = tpu.memref_slice %arg5[%dma_wait3A, %dma_wait3A_16] : memref<1x128xi32, #tpu.memory_space<vmem>> -> memref<1x128xi32, #tpu.memory_space<vmem>>
    %dma_wait3A_18 = tpu.memref_squeeze %dma_wait3A_17 : memref<1x128xi32, #tpu.memory_space<vmem>> -> memref<128xi32, #tpu.memory_space<vmem>>
    %dma_wait3A_19 = tpu.memref_slice %arg3[%mul3A_2] : memref<4096xi32, #tpu.memory_space<hbm>> -> memref<128xi32, #tpu.memory_space<hbm>>
    %dma_wait3A_20 = arith.constant 0 : i32
    %dma_wait3A_21 = tpu.memref_slice %arg5[%dma_wait3A, %dma_wait3A_20] : memref<1x128xi32, #tpu.memory_space<vmem>> -> memref<1x128xi32, #tpu.memory_space<vmem>>
    %dma_wait3A_22 = tpu.memref_squeeze %dma_wait3A_21 : memref<1x128xi32, #tpu.memory_space<vmem>> -> memref<128xi32, #tpu.memory_space<vmem>>
    %dma_wait3A_23 = tpu.memref_slice %arg3[%mul3A_2] : memref<4096xi32, #tpu.memory_space<hbm>> -> memref<128xi32, #tpu.memory_space<hbm>>
    tpu.wait_dma2 semaphore(%arg8 : memref<!tpu.dma_semaphore, #tpu.memory_space<semaphore_mem>>) src(%dma_wait3A_23 : memref<128xi32, #tpu.memory_space<hbm>>) dst(%dma_wait3A_22 : memref<128xi32, #tpu.memory_space<vmem>>)
    %dma_wait3A_24 = arith.constant 0 : i32
    %dma_wait3A_25 = tpu.memref_slice %arg2[%rem3A_3, %dma_wait3A_24] : memref<2048x768xf32, #tpu.memory_space<hbm>> -> memref<128x768xf32, #tpu.memory_space<hbm>>
    %dma_wait3A_26 = arith.constant 0 : i32
    %dma_wait3A_27 = tpu.memref_slice %arg2[%rem3A_3, %dma_wait3A_26] : memref<2048x768xf32, #tpu.memory_space<hbm>> -> memref<128x768xf32, #tpu.memory_space<hbm>>
    tpu.wait_dma2 semaphore(%arg7 : memref<!tpu.dma_semaphore, #tpu.memory_space<semaphore_mem>>) src(%dma_wait3A_27 : memref<128x768xf32, #tpu.memory_space<hbm>>) dst(%arg6 : memref<128x768xf32, #tpu.memory_space<vmem>>)
    %dma_start3A_28 = arith.constant 0 : i32
    %dma_start3A_29 = arith.constant 0 : i32
    %dma_start3A_30 = tpu.memref_slice %arg5[%dma_start3A_28, %dma_start3A_29] : memref<1x128xi32, #tpu.memory_space<vmem>> -> memref<1x128xi32, #tpu.memory_space<vmem>>
    %dma_start3A_31 = tpu.memref_squeeze %dma_start3A_30 : memref<1x128xi32, #tpu.memory_space<vmem>> -> memref<128xi32, #tpu.memory_space<vmem>>
    %dma_start3A_32 = arith.constant 0 : i32
    %dma_start3A_33 = arith.constant 0 : i32
    %dma_start3A_34 = tpu.memref_slice %arg4[%dma_start3A_32, %dma_start3A_33] : memref<5248x768xf32, #tpu.memory_space<hbm>> -> memref<5248x768xf32, #tpu.memory_space<hbm>>
    tpu.enqueue_indirect_dma source(%arg6 : memref<128x768xf32, #tpu.memory_space<vmem>>) target(%dma_start3A_34 : memref<5248x768xf32, #tpu.memory_space<hbm>>) offsets(%dma_start3A_31 : memref<128xi32, #tpu.memory_space<vmem>>) semaphore(%arg7 : memref<!tpu.dma_semaphore, #tpu.memory_space<semaphore_mem>>)
    %dma_wait3A_35 = arith.constant 0 : i32
    %dma_wait3A_36 = arith.constant 0 : i32
    %dma_wait3A_37 = tpu.memref_slice %arg5[%dma_wait3A_35, %dma_wait3A_36] : memref<1x128xi32, #tpu.memory_space<vmem>> -> memref<1x128xi32, #tpu.memory_space<vmem>>
    %dma_wait3A_38 = tpu.memref_squeeze %dma_wait3A_37 : memref<1x128xi32, #tpu.memory_space<vmem>> -> memref<128xi32, #tpu.memory_space<vmem>>
    %dma_wait3A_39 = arith.constant 0 : i32
    %dma_wait3A_40 = arith.constant 0 : i32
    %dma_wait3A_41 = tpu.memref_slice %arg4[%dma_wait3A_39, %dma_wait3A_40] : memref<5248x768xf32, #tpu.memory_space<hbm>> -> memref<5248x768xf32, #tpu.memory_space<hbm>>
    tpu.wait_indirect_dma semaphore(%arg7 : memref<!tpu.dma_semaphore, #tpu.memory_space<semaphore_mem>>) src(%arg6 : memref<128x768xf32, #tpu.memory_space<vmem>>) dst(%dma_wait3A_41 : memref<5248x768xf32, #tpu.memory_space<hbm>>)
    return
  }
}

module attributes {stable_mosaic.version = 14 : i64} {
  func.func @_router_body(%arg0: memref<2048x768xf32, #tpu.memory_space<vmem>>, %arg1: memref<768x8xf32, #tpu.memory_space<vmem>>, %arg2: memref<4096x1xi32, #tpu.memory_space<vmem>>, %arg3: memref<4096x1xi32, #tpu.memory_space<vmem>>, %arg4: memref<4096x16xf32, #tpu.memory_space<vmem>>) attributes {dimension_semantics = [], scalar_prefetch = 0 : i64, scratch_operands = 0 : i64, tpu.core_type = #tpu.core_type<tc>} {
    %get3A = arith.constant 0 : index
    %get3A_0 = arith.constant 0 : index
    %get3A_1 = vector.load %arg0[%get3A, %get3A_0] : memref<2048x768xf32, #tpu.memory_space<vmem>>, vector<2048x768xf32>
    %get3A_2 = arith.constant 0 : index
    %get3A_3 = arith.constant 0 : index
    %get3A_4 = vector.load %arg1[%get3A_2, %get3A_3] : memref<768x8xf32, #tpu.memory_space<vmem>>, vector<768x8xf32>
    %dot_general3A = arith.constant dense<0.000000e+00> : vector<2048x8xf32>
    %dot_general3A_5 = tpu.matmul %get3A_1, %get3A_4, %dot_general3A {dimension_numbers = #tpu.dot_dimension_numbers<[1], [0], [0], [1], [0, 0, 1, 1], [], []>, transpose_lhs_hint = false} : vector<2048x768xf32>, vector<768x8xf32>, vector<2048x8xf32> -> vector<2048x8xf32>
    %iota3A = tpu.iota {dimensions = array<i32: 1>} : vector<2048x8xi32>
    %reduce_max3A = arith.constant dense<0xFF800000> : vector<2048xf32>
    %reduce_max3A_6 = vector.multi_reduction <maximumf>, %dot_general3A_5, %reduce_max3A [1] : vector<2048x8xf32> to vector<2048xf32>
    %broadcast_in_dim3A = vector.shape_cast %reduce_max3A_6 : vector<2048xf32> to vector<2048x1xf32>
    %eq3A = vector.broadcast %broadcast_in_dim3A : vector<2048x1xf32> to vector<2048x8xf32>
    %eq3A_7 = arith.cmpf oeq, %dot_general3A_5, %eq3A : vector<2048x8xf32>
    %jit3A = arith.constant 8 : i32
    %broadcast_in_dim3A_8 = vector.broadcast %jit3A : i32 to vector<2048x8xi32>
    %select_n3A = arith.select %eq3A_7, %iota3A, %broadcast_in_dim3A_8 : vector<2048x8xi1>, vector<2048x8xi32>
    %reduce_min3A = arith.constant dense<2147483647> : vector<2048xi32>
    %reduce_min3A_9 = vector.multi_reduction <minsi>, %select_n3A, %reduce_min3A [1] : vector<2048x8xi32> to vector<2048xi32>
    %broadcast_in_dim3A_10 = vector.shape_cast %reduce_min3A_9 : vector<2048xi32> to vector<2048x1xi32>
    %eq3A_11 = vector.broadcast %broadcast_in_dim3A_10 : vector<2048x1xi32> to vector<2048x8xi32>
    %eq3A_12 = arith.cmpi eq, %iota3A, %eq3A_11 : vector<2048x8xi32>
    %jit3A_13 = arith.constant 0xFF800000 : f32
    %broadcast_in_dim3A_14 = vector.broadcast %jit3A_13 : f32 to vector<2048x8xf32>
    %select_n3A_15 = arith.select %eq3A_12, %broadcast_in_dim3A_14, %dot_general3A_5 : vector<2048x8xi1>, vector<2048x8xf32>
    %reduce_max3A_16 = arith.constant dense<0xFF800000> : vector<2048xf32>
    %reduce_max3A_17 = vector.multi_reduction <maximumf>, %select_n3A_15, %reduce_max3A_16 [1] : vector<2048x8xf32> to vector<2048xf32>
    %broadcast_in_dim3A_18 = vector.shape_cast %reduce_max3A_17 : vector<2048xf32> to vector<2048x1xf32>
    %eq3A_19 = vector.broadcast %broadcast_in_dim3A_18 : vector<2048x1xf32> to vector<2048x8xf32>
    %eq3A_20 = arith.cmpf oeq, %select_n3A_15, %eq3A_19 : vector<2048x8xf32>
    %jit3A_21 = arith.constant 8 : i32
    %broadcast_in_dim3A_22 = vector.broadcast %jit3A_21 : i32 to vector<2048x8xi32>
    %select_n3A_23 = arith.select %eq3A_20, %iota3A, %broadcast_in_dim3A_22 : vector<2048x8xi1>, vector<2048x8xi32>
    %reduce_min3A_24 = arith.constant dense<2147483647> : vector<2048xi32>
    %reduce_min3A_25 = vector.multi_reduction <minsi>, %select_n3A_23, %reduce_min3A_24 [1] : vector<2048x8xi32> to vector<2048xi32>
    %broadcast_in_dim3A_26 = vector.shape_cast %reduce_min3A_25 : vector<2048xi32> to vector<2048x1xi32>
    %sub3A = arith.subf %broadcast_in_dim3A_18, %broadcast_in_dim3A : vector<2048x1xf32>
    %exp3A = math.exp %sub3A : vector<2048x1xf32>
    %add3A = arith.constant 1.000000e+00 : f32
    %add3A_27 = vector.broadcast %add3A : f32 to vector<2048x1xf32>
    %add3A_28 = arith.addf %add3A_27, %exp3A : vector<2048x1xf32>
    %div3A = arith.constant 1.000000e+00 : f32
    %div3A_29 = vector.broadcast %div3A : f32 to vector<2048x1xf32>
    %div3A_30 = arith.divf %div3A_29, %add3A_28 : vector<2048x1xf32>
    %add3A_31 = arith.constant 1.000000e+00 : f32
    %add3A_32 = vector.broadcast %add3A_31 : f32 to vector<2048x1xf32>
    %add3A_33 = arith.addf %add3A_32, %exp3A : vector<2048x1xf32>
    %div3A_34 = arith.divf %exp3A, %add3A_33 : vector<2048x1xf32>
    %concatenate3A = tpu.concatenate %broadcast_in_dim3A_10, %broadcast_in_dim3A_26 in 0 : vector<2048x1xi32>, vector<2048x1xi32> -> vector<4096x1xi32>
    %concatenate3A_35 = tpu.concatenate %div3A_30, %div3A_34 in 0 : vector<2048x1xf32>, vector<2048x1xf32> -> vector<4096x1xf32>
    %iota3A_36 = tpu.iota {dimensions = array<i32: 0>} : vector<512x512xi32>
    %iota3A_37 = tpu.iota {dimensions = array<i32: 1>} : vector<512x512xi32>
    %ge3A = arith.cmpi sge, %iota3A_36, %iota3A_37 : vector<512x512xi32>
    %convert_element_type3A = arith.extui %ge3A : vector<512x512xi1> to vector<512x512xi32>
    %convert_element_type3A_38 = arith.sitofp %convert_element_type3A : vector<512x512xi32> to vector<512x512xf32>
    %iota3A_39 = tpu.iota {dimensions = array<i32: 1>} : vector<512x8xi32>
    %slice3A = vector.extract_strided_slice %concatenate3A {offsets = [0, 0], sizes = [512, 1], strides = [1, 1]} : vector<4096x1xi32> to vector<512x1xi32>
    %eq3A_40 = vector.broadcast %slice3A : vector<512x1xi32> to vector<512x8xi32>
    %eq3A_41 = arith.cmpi eq, %iota3A_39, %eq3A_40 : vector<512x8xi32>
    %convert_element_type3A_42 = arith.extui %eq3A_41 : vector<512x8xi1> to vector<512x8xi32>
    %convert_element_type3A_43 = arith.sitofp %convert_element_type3A_42 : vector<512x8xi32> to vector<512x8xf32>
    %slice3A_44 = vector.extract_strided_slice %concatenate3A {offsets = [512, 0], sizes = [512, 1], strides = [1, 1]} : vector<4096x1xi32> to vector<512x1xi32>
    %eq3A_45 = vector.broadcast %slice3A_44 : vector<512x1xi32> to vector<512x8xi32>
    %eq3A_46 = arith.cmpi eq, %iota3A_39, %eq3A_45 : vector<512x8xi32>
    %convert_element_type3A_47 = arith.extui %eq3A_46 : vector<512x8xi1> to vector<512x8xi32>
    %convert_element_type3A_48 = arith.sitofp %convert_element_type3A_47 : vector<512x8xi32> to vector<512x8xf32>
    %slice3A_49 = vector.extract_strided_slice %concatenate3A {offsets = [1024, 0], sizes = [512, 1], strides = [1, 1]} : vector<4096x1xi32> to vector<512x1xi32>
    %eq3A_50 = vector.broadcast %slice3A_49 : vector<512x1xi32> to vector<512x8xi32>
    %eq3A_51 = arith.cmpi eq, %iota3A_39, %eq3A_50 : vector<512x8xi32>
    %convert_element_type3A_52 = arith.extui %eq3A_51 : vector<512x8xi1> to vector<512x8xi32>
    %convert_element_type3A_53 = arith.sitofp %convert_element_type3A_52 : vector<512x8xi32> to vector<512x8xf32>
    %slice3A_54 = vector.extract_strided_slice %concatenate3A {offsets = [1536, 0], sizes = [512, 1], strides = [1, 1]} : vector<4096x1xi32> to vector<512x1xi32>
    %eq3A_55 = vector.broadcast %slice3A_54 : vector<512x1xi32> to vector<512x8xi32>
    %eq3A_56 = arith.cmpi eq, %iota3A_39, %eq3A_55 : vector<512x8xi32>
    %convert_element_type3A_57 = arith.extui %eq3A_56 : vector<512x8xi1> to vector<512x8xi32>
    %convert_element_type3A_58 = arith.sitofp %convert_element_type3A_57 : vector<512x8xi32> to vector<512x8xf32>
    %slice3A_59 = vector.extract_strided_slice %concatenate3A {offsets = [2048, 0], sizes = [512, 1], strides = [1, 1]} : vector<4096x1xi32> to vector<512x1xi32>
    %eq3A_60 = vector.broadcast %slice3A_59 : vector<512x1xi32> to vector<512x8xi32>
    %eq3A_61 = arith.cmpi eq, %iota3A_39, %eq3A_60 : vector<512x8xi32>
    %convert_element_type3A_62 = arith.extui %eq3A_61 : vector<512x8xi1> to vector<512x8xi32>
    %convert_element_type3A_63 = arith.sitofp %convert_element_type3A_62 : vector<512x8xi32> to vector<512x8xf32>
    %slice3A_64 = vector.extract_strided_slice %concatenate3A {offsets = [2560, 0], sizes = [512, 1], strides = [1, 1]} : vector<4096x1xi32> to vector<512x1xi32>
    %eq3A_65 = vector.broadcast %slice3A_64 : vector<512x1xi32> to vector<512x8xi32>
    %eq3A_66 = arith.cmpi eq, %iota3A_39, %eq3A_65 : vector<512x8xi32>
    %convert_element_type3A_67 = arith.extui %eq3A_66 : vector<512x8xi1> to vector<512x8xi32>
    %convert_element_type3A_68 = arith.sitofp %convert_element_type3A_67 : vector<512x8xi32> to vector<512x8xf32>
    %slice3A_69 = vector.extract_strided_slice %concatenate3A {offsets = [3072, 0], sizes = [512, 1], strides = [1, 1]} : vector<4096x1xi32> to vector<512x1xi32>
    %eq3A_70 = vector.broadcast %slice3A_69 : vector<512x1xi32> to vector<512x8xi32>
    %eq3A_71 = arith.cmpi eq, %iota3A_39, %eq3A_70 : vector<512x8xi32>
    %convert_element_type3A_72 = arith.extui %eq3A_71 : vector<512x8xi1> to vector<512x8xi32>
    %convert_element_type3A_73 = arith.sitofp %convert_element_type3A_72 : vector<512x8xi32> to vector<512x8xf32>
    %slice3A_74 = vector.extract_strided_slice %concatenate3A {offsets = [3584, 0], sizes = [512, 1], strides = [1, 1]} : vector<4096x1xi32> to vector<512x1xi32>
    %eq3A_75 = vector.broadcast %slice3A_74 : vector<512x1xi32> to vector<512x8xi32>
    %eq3A_76 = arith.cmpi eq, %iota3A_39, %eq3A_75 : vector<512x8xi32>
    %convert_element_type3A_77 = arith.extui %eq3A_76 : vector<512x8xi1> to vector<512x8xi32>
    %convert_element_type3A_78 = arith.sitofp %convert_element_type3A_77 : vector<512x8xi32> to vector<512x8xf32>
    %concatenate3A_79 = tpu.concatenate %convert_element_type3A_43, %convert_element_type3A_48, %convert_element_type3A_53, %convert_element_type3A_58, %convert_element_type3A_63, %convert_element_type3A_68, %convert_element_type3A_73, %convert_element_type3A_78 in 1 : vector<512x8xf32>, vector<512x8xf32>, vector<512x8xf32>, vector<512x8xf32>, vector<512x8xf32>, vector<512x8xf32>, vector<512x8xf32>, vector<512x8xf32> -> vector<512x64xf32>
    %broadcast_in_dim3A_80 = arith.constant 0.000000e+00 : f32
    %broadcast_in_dim3A_81 = vector.broadcast %broadcast_in_dim3A_80 : f32 to vector<1x8xf32>
    %reduce_sum3A = arith.constant dense<0.000000e+00> : vector<8xf32>
    %reduce_sum3A_82 = vector.multi_reduction <add>, %convert_element_type3A_43, %reduce_sum3A [0] : vector<512x8xf32> to vector<8xf32>
    %broadcast_in_dim3A_83 = vector.shape_cast %reduce_sum3A_82 : vector<8xf32> to vector<1x8xf32>
    %add3A_84 = arith.addf %broadcast_in_dim3A_81, %broadcast_in_dim3A_83 : vector<1x8xf32>
    %reduce_sum3A_85 = arith.constant dense<0.000000e+00> : vector<8xf32>
    %reduce_sum3A_86 = vector.multi_reduction <add>, %convert_element_type3A_48, %reduce_sum3A_85 [0] : vector<512x8xf32> to vector<8xf32>
    %broadcast_in_dim3A_87 = vector.shape_cast %reduce_sum3A_86 : vector<8xf32> to vector<1x8xf32>
    %add3A_88 = arith.addf %add3A_84, %broadcast_in_dim3A_87 : vector<1x8xf32>
    %reduce_sum3A_89 = arith.constant dense<0.000000e+00> : vector<8xf32>
    %reduce_sum3A_90 = vector.multi_reduction <add>, %convert_element_type3A_53, %reduce_sum3A_89 [0] : vector<512x8xf32> to vector<8xf32>
    %broadcast_in_dim3A_91 = vector.shape_cast %reduce_sum3A_90 : vector<8xf32> to vector<1x8xf32>
    %add3A_92 = arith.addf %add3A_88, %broadcast_in_dim3A_91 : vector<1x8xf32>
    %reduce_sum3A_93 = arith.constant dense<0.000000e+00> : vector<8xf32>
    %reduce_sum3A_94 = vector.multi_reduction <add>, %convert_element_type3A_58, %reduce_sum3A_93 [0] : vector<512x8xf32> to vector<8xf32>
    %broadcast_in_dim3A_95 = vector.shape_cast %reduce_sum3A_94 : vector<8xf32> to vector<1x8xf32>
    %add3A_96 = arith.addf %add3A_92, %broadcast_in_dim3A_95 : vector<1x8xf32>
    %reduce_sum3A_97 = arith.constant dense<0.000000e+00> : vector<8xf32>
    %reduce_sum3A_98 = vector.multi_reduction <add>, %convert_element_type3A_63, %reduce_sum3A_97 [0] : vector<512x8xf32> to vector<8xf32>
    %broadcast_in_dim3A_99 = vector.shape_cast %reduce_sum3A_98 : vector<8xf32> to vector<1x8xf32>
    %add3A_100 = arith.addf %add3A_96, %broadcast_in_dim3A_99 : vector<1x8xf32>
    %reduce_sum3A_101 = arith.constant dense<0.000000e+00> : vector<8xf32>
    %reduce_sum3A_102 = vector.multi_reduction <add>, %convert_element_type3A_68, %reduce_sum3A_101 [0] : vector<512x8xf32> to vector<8xf32>
    %broadcast_in_dim3A_103 = vector.shape_cast %reduce_sum3A_102 : vector<8xf32> to vector<1x8xf32>
    %add3A_104 = arith.addf %add3A_100, %broadcast_in_dim3A_103 : vector<1x8xf32>
    %reduce_sum3A_105 = arith.constant dense<0.000000e+00> : vector<8xf32>
    %reduce_sum3A_106 = vector.multi_reduction <add>, %convert_element_type3A_73, %reduce_sum3A_105 [0] : vector<512x8xf32> to vector<8xf32>
    %broadcast_in_dim3A_107 = vector.shape_cast %reduce_sum3A_106 : vector<8xf32> to vector<1x8xf32>
    %add3A_108 = arith.addf %add3A_104, %broadcast_in_dim3A_107 : vector<1x8xf32>
    %concatenate3A_109 = tpu.concatenate %broadcast_in_dim3A_81, %add3A_84, %add3A_88, %add3A_92, %add3A_96, %add3A_100, %add3A_104, %add3A_108 in 1 : vector<1x8xf32>, vector<1x8xf32>, vector<1x8xf32>, vector<1x8xf32>, vector<1x8xf32>, vector<1x8xf32>, vector<1x8xf32>, vector<1x8xf32> -> vector<1x64xf32>
    %dot_general3A_110 = arith.constant dense<0.000000e+00> : vector<512x64xf32>
    %dot_general3A_111 = tpu.matmul %convert_element_type3A_38, %concatenate3A_79, %dot_general3A_110 {dimension_numbers = #tpu.dot_dimension_numbers<[1], [0], [0], [1], [0, 0, 1, 1], [], []>, transpose_lhs_hint = false} : vector<512x512xf32>, vector<512x64xf32>, vector<512x64xf32> -> vector<512x64xf32>
    %add3A_112 = vector.broadcast %concatenate3A_109 : vector<1x64xf32> to vector<512x64xf32>
    %add3A_113 = arith.addf %dot_general3A_111, %add3A_112 : vector<512x64xf32>
    %mul3A = arith.mulf %concatenate3A_79, %add3A_113 : vector<512x64xf32>
    %slice3A_114 = vector.extract_strided_slice %mul3A {offsets = [0, 0], sizes = [512, 8], strides = [1, 1]} : vector<512x64xf32> to vector<512x8xf32>
    %reduce_sum3A_115 = arith.constant dense<0.000000e+00> : vector<512xf32>
    %reduce_sum3A_116 = vector.multi_reduction <add>, %slice3A_114, %reduce_sum3A_115 [1] : vector<512x8xf32> to vector<512xf32>
    %broadcast_in_dim3A_117 = vector.shape_cast %reduce_sum3A_116 : vector<512xf32> to vector<512x1xf32>
    %round3A = math.roundeven %broadcast_in_dim3A_117 : vector<512x1xf32>
    %sub3A_118 = arith.constant 1.000000e+00 : f32
    %sub3A_119 = vector.broadcast %sub3A_118 : f32 to vector<512x1xf32>
    %sub3A_120 = arith.subf %round3A, %sub3A_119 : vector<512x1xf32>
    %slice3A_121 = vector.extract_strided_slice %mul3A {offsets = [0, 8], sizes = [512, 8], strides = [1, 1]} : vector<512x64xf32> to vector<512x8xf32>
    %reduce_sum3A_122 = arith.constant dense<0.000000e+00> : vector<512xf32>
    %reduce_sum3A_123 = vector.multi_reduction <add>, %slice3A_121, %reduce_sum3A_122 [1] : vector<512x8xf32> to vector<512xf32>
    %broadcast_in_dim3A_124 = vector.shape_cast %reduce_sum3A_123 : vector<512xf32> to vector<512x1xf32>
    %round3A_125 = math.roundeven %broadcast_in_dim3A_124 : vector<512x1xf32>
    %sub3A_126 = arith.constant 1.000000e+00 : f32
    %sub3A_127 = vector.broadcast %sub3A_126 : f32 to vector<512x1xf32>
    %sub3A_128 = arith.subf %round3A_125, %sub3A_127 : vector<512x1xf32>
    %slice3A_129 = vector.extract_strided_slice %mul3A {offsets = [0, 16], sizes = [512, 8], strides = [1, 1]} : vector<512x64xf32> to vector<512x8xf32>
    %reduce_sum3A_130 = arith.constant dense<0.000000e+00> : vector<512xf32>
    %reduce_sum3A_131 = vector.multi_reduction <add>, %slice3A_129, %reduce_sum3A_130 [1] : vector<512x8xf32> to vector<512xf32>
    %broadcast_in_dim3A_132 = vector.shape_cast %reduce_sum3A_131 : vector<512xf32> to vector<512x1xf32>
    %round3A_133 = math.roundeven %broadcast_in_dim3A_132 : vector<512x1xf32>
    %sub3A_134 = arith.constant 1.000000e+00 : f32
    %sub3A_135 = vector.broadcast %sub3A_134 : f32 to vector<512x1xf32>
    %sub3A_136 = arith.subf %round3A_133, %sub3A_135 : vector<512x1xf32>
    %slice3A_137 = vector.extract_strided_slice %mul3A {offsets = [0, 24], sizes = [512, 8], strides = [1, 1]} : vector<512x64xf32> to vector<512x8xf32>
    %reduce_sum3A_138 = arith.constant dense<0.000000e+00> : vector<512xf32>
    %reduce_sum3A_139 = vector.multi_reduction <add>, %slice3A_137, %reduce_sum3A_138 [1] : vector<512x8xf32> to vector<512xf32>
    %broadcast_in_dim3A_140 = vector.shape_cast %reduce_sum3A_139 : vector<512xf32> to vector<512x1xf32>
    %round3A_141 = math.roundeven %broadcast_in_dim3A_140 : vector<512x1xf32>
    %sub3A_142 = arith.constant 1.000000e+00 : f32
    %sub3A_143 = vector.broadcast %sub3A_142 : f32 to vector<512x1xf32>
    %sub3A_144 = arith.subf %round3A_141, %sub3A_143 : vector<512x1xf32>
    %slice3A_145 = vector.extract_strided_slice %mul3A {offsets = [0, 32], sizes = [512, 8], strides = [1, 1]} : vector<512x64xf32> to vector<512x8xf32>
    %reduce_sum3A_146 = arith.constant dense<0.000000e+00> : vector<512xf32>
    %reduce_sum3A_147 = vector.multi_reduction <add>, %slice3A_145, %reduce_sum3A_146 [1] : vector<512x8xf32> to vector<512xf32>
    %broadcast_in_dim3A_148 = vector.shape_cast %reduce_sum3A_147 : vector<512xf32> to vector<512x1xf32>
    %round3A_149 = math.roundeven %broadcast_in_dim3A_148 : vector<512x1xf32>
    %sub3A_150 = arith.constant 1.000000e+00 : f32
    %sub3A_151 = vector.broadcast %sub3A_150 : f32 to vector<512x1xf32>
    %sub3A_152 = arith.subf %round3A_149, %sub3A_151 : vector<512x1xf32>
    %slice3A_153 = vector.extract_strided_slice %mul3A {offsets = [0, 40], sizes = [512, 8], strides = [1, 1]} : vector<512x64xf32> to vector<512x8xf32>
    %reduce_sum3A_154 = arith.constant dense<0.000000e+00> : vector<512xf32>
    %reduce_sum3A_155 = vector.multi_reduction <add>, %slice3A_153, %reduce_sum3A_154 [1] : vector<512x8xf32> to vector<512xf32>
    %broadcast_in_dim3A_156 = vector.shape_cast %reduce_sum3A_155 : vector<512xf32> to vector<512x1xf32>
    %round3A_157 = math.roundeven %broadcast_in_dim3A_156 : vector<512x1xf32>
    %sub3A_158 = arith.constant 1.000000e+00 : f32
    %sub3A_159 = vector.broadcast %sub3A_158 : f32 to vector<512x1xf32>
    %sub3A_160 = arith.subf %round3A_157, %sub3A_159 : vector<512x1xf32>
    %slice3A_161 = vector.extract_strided_slice %mul3A {offsets = [0, 48], sizes = [512, 8], strides = [1, 1]} : vector<512x64xf32> to vector<512x8xf32>
    %reduce_sum3A_162 = arith.constant dense<0.000000e+00> : vector<512xf32>
    %reduce_sum3A_163 = vector.multi_reduction <add>, %slice3A_161, %reduce_sum3A_162 [1] : vector<512x8xf32> to vector<512xf32>
    %broadcast_in_dim3A_164 = vector.shape_cast %reduce_sum3A_163 : vector<512xf32> to vector<512x1xf32>
    %round3A_165 = math.roundeven %broadcast_in_dim3A_164 : vector<512x1xf32>
    %sub3A_166 = arith.constant 1.000000e+00 : f32
    %sub3A_167 = vector.broadcast %sub3A_166 : f32 to vector<512x1xf32>
    %sub3A_168 = arith.subf %round3A_165, %sub3A_167 : vector<512x1xf32>
    %slice3A_169 = vector.extract_strided_slice %mul3A {offsets = [0, 56], sizes = [512, 8], strides = [1, 1]} : vector<512x64xf32> to vector<512x8xf32>
    %reduce_sum3A_170 = arith.constant dense<0.000000e+00> : vector<512xf32>
    %reduce_sum3A_171 = vector.multi_reduction <add>, %slice3A_169, %reduce_sum3A_170 [1] : vector<512x8xf32> to vector<512xf32>
    %broadcast_in_dim3A_172 = vector.shape_cast %reduce_sum3A_171 : vector<512xf32> to vector<512x1xf32>
    %round3A_173 = math.roundeven %broadcast_in_dim3A_172 : vector<512x1xf32>
    %sub3A_174 = arith.constant 1.000000e+00 : f32
    %sub3A_175 = vector.broadcast %sub3A_174 : f32 to vector<512x1xf32>
    %sub3A_176 = arith.subf %round3A_173, %sub3A_175 : vector<512x1xf32>
    %concatenate3A_177 = tpu.concatenate %sub3A_120, %sub3A_128, %sub3A_136, %sub3A_144, %sub3A_152, %sub3A_160, %sub3A_168, %sub3A_176 in 0 : vector<512x1xf32>, vector<512x1xf32>, vector<512x1xf32>, vector<512x1xf32>, vector<512x1xf32>, vector<512x1xf32>, vector<512x1xf32>, vector<512x1xf32> -> vector<4096x1xf32>
    %convert_element_type3A_178 = arith.fptosi %concatenate3A_177 : vector<4096x1xf32> to vector<4096x1xi32>
    %lt3A = arith.constant 640 : i32
    %lt3A_179 = vector.broadcast %lt3A : i32 to vector<4096x1xi32>
    %lt3A_180 = arith.cmpi slt, %convert_element_type3A_178, %lt3A_179 : vector<4096x1xi32>
    %mul3A_181 = arith.constant 640 : i32
    %mul3A_182 = vector.broadcast %mul3A_181 : i32 to vector<4096x1xi32>
    %mul3A_183 = arith.muli %concatenate3A, %mul3A_182 : vector<4096x1xi32>
    %add3A_184 = arith.addi %mul3A_183, %convert_element_type3A_178 : vector<4096x1xi32>
    %mul3A_185 = arith.constant 640 : i32
    %mul3A_186 = vector.broadcast %mul3A_185 : i32 to vector<4096x1xi32>
    %mul3A_187 = arith.muli %concatenate3A, %mul3A_186 : vector<4096x1xi32>
    %add3A_188 = arith.constant 639 : i32
    %add3A_189 = vector.broadcast %add3A_188 : i32 to vector<4096x1xi32>
    %add3A_190 = arith.addi %mul3A_187, %add3A_189 : vector<4096x1xi32>
    %select_n3A_191 = arith.select %lt3A_180, %add3A_184, %add3A_190 : vector<4096x1xi1>, vector<4096x1xi32>
    %swap3A = arith.constant 0 : index
    %swap3A_192 = arith.constant 0 : index
    %swap3A_193 = vector.load %arg2[%swap3A, %swap3A_192] : memref<4096x1xi32, #tpu.memory_space<vmem>>, vector<4096x1xi32>
    tpu.vector_store %arg2[%swap3A, %swap3A_192], %select_n3A_191 {strides = array<i32>} : memref<4096x1xi32, #tpu.memory_space<vmem>>, vector<4096x1xi32>,
    %iota3A_194 = tpu.iota {dimensions = array<i32: 0>} : vector<4096x1xi32>
    %mul3A_195 = arith.constant 640 : i32
    %mul3A_196 = vector.broadcast %mul3A_195 : i32 to vector<4096x1xi32>
    %mul3A_197 = arith.muli %concatenate3A, %mul3A_196 : vector<4096x1xi32>
    %add3A_198 = arith.addi %mul3A_197, %convert_element_type3A_178 : vector<4096x1xi32>
    %and3A = arith.constant 127 : i32
    %and3A_199 = vector.broadcast %and3A : i32 to vector<4096x1xi32>
    %and3A_200 = arith.andi %iota3A_194, %and3A_199 : vector<4096x1xi32>
    %add3A_201 = arith.constant 5120 : i32
    %add3A_202 = vector.broadcast %add3A_201 : i32 to vector<4096x1xi32>
    %add3A_203 = arith.addi %add3A_202, %and3A_200 : vector<4096x1xi32>
    %select_n3A_204 = arith.select %lt3A_180, %add3A_198, %add3A_203 : vector<4096x1xi1>, vector<4096x1xi32>
    %swap3A_205 = arith.constant 0 : index
    %swap3A_206 = arith.constant 0 : index
    %swap3A_207 = vector.load %arg3[%swap3A_205, %swap3A_206] : memref<4096x1xi32, #tpu.memory_space<vmem>>, vector<4096x1xi32>
    tpu.vector_store %arg3[%swap3A_205, %swap3A_206], %select_n3A_204 {strides = array<i32>} : memref<4096x1xi32, #tpu.memory_space<vmem>>, vector<4096x1xi32>,
    %jit3A_208 = arith.constant 0.000000e+00 : f32
    %broadcast_in_dim3A_209 = vector.broadcast %jit3A_208 : f32 to vector<4096x1xf32>
    %select_n3A_210 = arith.select %lt3A_180, %concatenate3A_35, %broadcast_in_dim3A_209 : vector<4096x1xi1>, vector<4096x1xf32>
    %broadcast_in_dim3A_211 = vector.shape_cast %select_n3A_210 : vector<4096x1xf32> to vector<4096x1xf32>
    %broadcast_in_dim3A_212 = vector.broadcast %broadcast_in_dim3A_211 : vector<4096x1xf32> to vector<4096x16xf32>
    %swap3A_213 = arith.constant 0 : index
    %swap3A_214 = arith.constant 0 : index
    %swap3A_215 = vector.load %arg4[%swap3A_213, %swap3A_214] : memref<4096x16xf32, #tpu.memory_space<vmem>>, vector<4096x16xf32>
    tpu.vector_store %arg4[%swap3A_213, %swap3A_214], %broadcast_in_dim3A_212 {strides = array<i32>} : memref<4096x16xf32, #tpu.memory_space<vmem>>, vector<4096x16xf32>,
    return
  }
}

module attributes {stable_mosaic.version = 14 : i64} {
  func.func @_mlp_body(%arg0: i32, %arg1: i32, %arg2: memref<640x768xf32, #tpu.memory_space<vmem>>, %arg3: memref<1x768x768xf32, #tpu.memory_space<vmem>>, %arg4: memref<1x768x768xf32, #tpu.memory_space<vmem>>, %arg5: memref<640x768xf32, #tpu.memory_space<vmem>>) attributes {dimension_semantics = [#tpu.dimension_semantics<arbitrary>, #tpu.dimension_semantics<arbitrary>], iteration_bounds = array<i64: 8, 4>, scalar_prefetch = 0 : i64, scratch_operands = 0 : i64, tpu.core_type = #tpu.core_type<tc>, window_params = [{transform_indices = @transform_0, window_bounds = array<i64: 640, 768>}, {transform_indices = @transform_1, window_bounds = array<i64: 1, 768, 768>}, {transform_indices = @transform_2, window_bounds = array<i64: 1, 768, 768>}, {transform_indices = @transform_3, window_bounds = array<i64: 640, 768>}]} {
    %get3A = arith.constant 0 : index
    %get3A_0 = arith.constant 0 : index
    %get3A_1 = vector.load %arg2[%get3A, %get3A_0] : memref<640x768xf32, #tpu.memory_space<vmem>>, vector<640x768xf32>
    %convert_element_type3A = arith.truncf %get3A_1 : vector<640x768xf32> to vector<640x768xbf16>
    %get3A_2 = arith.constant 0 : index
    %get3A_3 = arith.constant 0 : index
    %get3A_4 = arith.constant 0 : index
    %get3A_5 = vector.load %arg3[%get3A_2, %get3A_3, %get3A_4] : memref<1x768x768xf32, #tpu.memory_space<vmem>>, vector<1x768x768xf32>
    %get3A_6 = vector.shape_cast %get3A_5 : vector<1x768x768xf32> to vector<768x768xf32>
    %convert_element_type3A_7 = arith.truncf %get3A_6 : vector<768x768xf32> to vector<768x768xbf16>
    %dot_general3A = arith.constant dense<0.000000e+00> : vector<640x768xf32>
    %dot_general3A_8 = tpu.matmul %convert_element_type3A, %convert_element_type3A_7, %dot_general3A {dimension_numbers = #tpu.dot_dimension_numbers<[1], [0], [0], [1], [0, 0, 1, 1], [], []>, transpose_lhs_hint = false} : vector<640x768xbf16>, vector<768x768xbf16>, vector<640x768xf32> -> vector<640x768xf32>
    %mul3A = arith.constant 5.000000e-01 : f32
    %mul3A_9 = vector.broadcast %mul3A : f32 to vector<640x768xf32>
    %mul3A_10 = arith.mulf %dot_general3A_8, %mul3A_9 : vector<640x768xf32>
    %mul3A_11 = arith.constant 0.707106769 : f32
    %mul3A_12 = vector.broadcast %mul3A_11 : f32 to vector<640x768xf32>
    %mul3A_13 = arith.mulf %dot_general3A_8, %mul3A_12 : vector<640x768xf32>
    %erf3A = math.erf %mul3A_13 : vector<640x768xf32>
    %add3A = arith.constant 1.000000e+00 : f32
    %add3A_14 = vector.broadcast %add3A : f32 to vector<640x768xf32>
    %add3A_15 = arith.addf %add3A_14, %erf3A : vector<640x768xf32>
    %mul3A_16 = arith.mulf %mul3A_10, %add3A_15 : vector<640x768xf32>
    %get3A_17 = arith.constant 0 : index
    %get3A_18 = arith.constant 0 : index
    %get3A_19 = arith.constant 0 : index
    %get3A_20 = vector.load %arg4[%get3A_17, %get3A_18, %get3A_19] : memref<1x768x768xf32, #tpu.memory_space<vmem>>, vector<1x768x768xf32>
    %get3A_21 = vector.shape_cast %get3A_20 : vector<1x768x768xf32> to vector<768x768xf32>
    %convert_element_type3A_22 = arith.truncf %get3A_21 : vector<768x768xf32> to vector<768x768xbf16>
    %convert_element_type3A_23 = arith.truncf %mul3A_16 : vector<640x768xf32> to vector<640x768xbf16>
    %dot_general3A_24 = arith.constant dense<0.000000e+00> : vector<640x768xf32>
    %dot_general3A_25 = tpu.matmul %convert_element_type3A_23, %convert_element_type3A_22, %dot_general3A_24 {dimension_numbers = #tpu.dot_dimension_numbers<[1], [0], [0], [1], [0, 0, 1, 1], [], []>, transpose_lhs_hint = false} : vector<640x768xbf16>, vector<768x768xbf16>, vector<640x768xf32> -> vector<640x768xf32>
    %eq3A = arith.constant 0 : i32
    %eq3A_26 = arith.cmpi eq, %arg1, %eq3A : i32
    %convert_element_type3A_27 = arith.extui %eq3A_26 : i1 to i32
    %cond3A = arith.constant 0 : i32
    %cond3A_28 = arith.cmpi ne, %convert_element_type3A_27, %cond3A : i32
    scf.if %cond3A_28 {
      %swap3A = arith.constant 0 : index
      %swap3A_33 = arith.constant 0 : index
      %swap3A_34 = vector.load %arg5[%swap3A, %swap3A_33] : memref<640x768xf32, #tpu.memory_space<vmem>>, vector<640x768xf32>
      tpu.vector_store %arg5[%swap3A, %swap3A_33], %dot_general3A_25 {strides = array<i32>} : memref<640x768xf32, #tpu.memory_space<vmem>>, vector<640x768xf32>,
    } else {
    }
    %ne3A = arith.constant 0 : i32
    %ne3A_29 = arith.cmpi ne, %arg1, %ne3A : i32
    %convert_element_type3A_30 = arith.extui %ne3A_29 : i1 to i32
    %cond3A_31 = arith.constant 0 : i32
    %cond3A_32 = arith.cmpi ne, %convert_element_type3A_30, %cond3A_31 : i32
    scf.if %cond3A_32 {
      %get3A_33 = arith.constant 0 : index
      %get3A_34 = arith.constant 0 : index
      %get3A_35 = vector.load %arg5[%get3A_33, %get3A_34] : memref<640x768xf32, #tpu.memory_space<vmem>>, vector<640x768xf32>
      %add3A_36 = arith.addf %get3A_35, %dot_general3A_25 : vector<640x768xf32>
      %swap3A = arith.constant 0 : index
      %swap3A_37 = arith.constant 0 : index
      %swap3A_38 = vector.load %arg5[%swap3A, %swap3A_37] : memref<640x768xf32, #tpu.memory_space<vmem>>, vector<640x768xf32>
      tpu.vector_store %arg5[%swap3A, %swap3A_37], %add3A_36 {strides = array<i32>} : memref<640x768xf32, #tpu.memory_space<vmem>>, vector<640x768xf32>,
    } else {
    }
    return
  }
  func.func @transform_0(%arg0: i32, %arg1: i32) -> (i32, i32) {
    %c0_i32 = arith.constant 0 : i32
    %c0_i32_0 = arith.constant 0 : i32
    return %arg0, %c0_i32 : i32, i32
  }
  func.func @transform_1(%arg0: i32, %arg1: i32) -> (i32, i32, i32) {
    %c0_i32 = arith.constant 0 : i32
    %c0_i32_0 = arith.constant 0 : i32
    return %arg0, %c0_i32, %arg1 : i32, i32, i32
  }
  func.func @transform_2(%arg0: i32, %arg1: i32) -> (i32, i32, i32) {
    %c0_i32 = arith.constant 0 : i32
    %c0_i32_0 = arith.constant 0 : i32
    return %arg0, %arg1, %c0_i32 : i32, i32, i32
  }
  func.func @transform_3(%arg0: i32, %arg1: i32) -> (i32, i32) {
    %c0_i32 = arith.constant 0 : i32
    %c0_i32_0 = arith.constant 0 : i32
    return %arg0, %c0_i32 : i32, i32
  }
}

</mosaic_0001>

<sc_bundles>
// kernel: kernel.6.cloned.1.call-start
scs
__scs_entry_jumppad:
0x0: {  	(pc) =	sbr.rel $0x88, $3  }
0x1: {  	(tag) =	ssettag $0x0;
	lr =	simm.s32 $0x1  }
0x2: {  	[smem:$0x3F9D] =	sst lr;
	_ =	strace $0xD0000000  }
0x3: {  	_ = 	snop  }
0x4: {  	_ = 	snop  }
0x5: {  	_ = 	snop  }
0x6: {  	_ = 	snop  }
0x7: {  	_ = 	snop  }
__scs_overlays_trampoline_lowered:
0x8: {  	[smem:$0x3FAC] =	sst s0  }
0x9: {  	[smem:$0x3FAD] =	sst s1  }
0xa: {  	[smem:$0x3FAE] =	sst s2  }
0xb: {  	[smem:$0x3FAF] =	sst s3  }
0xc: {  	[smem:$0x3FB0] =	sst s4  }
0xd: {  	[smem:$0x3FB1] =	sst s5  }
0xe: {  	[smem:$0x3FB2] =	sst s6  }
0xf: {  	[smem:$0x3FB3] =	sst s7  }
0x10: {  	[smem:$0x3FB4] =	sst s8  }
0x11: {  	[smem:$0x3FB5] =	sst s9;
	s0 =	simm.s32 @!p0 $0x0  }
0x12: {  	s1 =	sld [smem:$0x3F9B];
	s0 =	simm.s32 @p0 $0x1  }
0x13: {  	[smem:$0x3FB6] =	sst s0;
	s0 =	simm.s32 @!p1 $0x0  }
0x14: {  	s2 =	sld [smem:$0x3F9A];
	s0 =	simm.s32 @p1 $0x1  }
0x15: {  	[smem:$0x3FB7] =	sst s0;
	s0 =	simm.s32 @!p2 $0x0  }
0x16: {  	s3 =	sld [smem:$0x3FDB];
	s0 =	simm.s32 @p2 $0x1  }
0x17: {  	s4 =	simm.s32 $0x1BF5;
	[smem:$0x3FB9] =	sst s0  }
0x18: {  	s0 =	sld [smem:$0x3F9C];
	_ =	swait.ge [sflag:s4], $0x0  }
0x19: {  	s7 =	sld [smem:$0x3F9D]  }
0x1a: {  	s8 =	sadd.s32 $0xFFFFE003, lr  }
0x1b: {  	s9 =	sadd.s32 $0xFFFFFEF7, lr;
	s5 =	simm.s32 $0xFFFFFFFF;
	p2 =	slt.u32 s8, $0xFFFFF086  }
0x1c: {  	p1 =	slt.u32 s9, $0xF7A;
	s5 =	simm.s32 @!p2 $0x0  }
0x1d: {  	s5 =	simm.s32 @p1 $0x1;
	p0 =	seq.s32 s7, s2  }
0x1e: {  	s7 =	smul.u32 @!p0 $0xF7A, s2;
	p2 =	seq.s32 @!p0 s5, $0x0  }
0x1f: {  	s9 =	smul.u32 $0xF7A, s1;
	s8 =	simm.s32 @!p0 $0x1BF5;
	p2 =	por !p2, p0  }
0x20: {  	[sflag:s8] =	ssyncset.s32 @!p0 $0xFFFFF086;
	s6 =	sadd.s32 @!p0 s3, s7;
	s7 =	simm.s32 @!p0 $0x108  }
0x21: {  	s3 =	sadd.s32 s3, s9;
	s6 =	sadd.s32 @!p0 $0x88, s6;
	s7 =	simm.s32 @p2 $0x1082  }
0x22: {  	[simem:s7], [sflag:s8] =	dma.local @!p0 [hbm:s6], $0xF7A  }
0x23: {  	s9 =	sor.u32 $0xD0000000, s2;
	s6 =	simm.s32 $0x108;
	_ =	swait.ge @!p0 [sflag:s8], $0x0  }
0x24: {  	s3 =	sadd.s32 $0x88, s3;
	s6 =	simm.s32 @!p1 $0x1082;
	[sflag:s4] =	ssyncset.s32 $0xFFFFF086  }
0x25: {  	[simem:s6], [sflag:s4] =	dma.local [hbm:s3], $0xF7A  }
0x26: {  	[smem:$0x3F9D] =	sst s1;
	(tag) =	ssettag s2;
	_ =	strace s9  }
0x27: {  	s1 =	sld [smem:$0x3FAD]  }
0x28: {  	s2 =	sld [smem:$0x3FAE]  }
0x29: {  	s4 =	sld [smem:$0x3FB0]  }
0x2a: {  	p0 =	seq.s32 s5, $0x0;
	s5 =	sld [smem:$0x3FB1]  }
0x2b: {  	s6 =	sld [smem:$0x3FB2]  }
0x2c: {  	s7 =	sld [smem:$0x3FB3]  }
0x2d: {  	s3 =	simm.s32 $0x108;
	s8 =	sld [smem:$0x3FB4]  }
0x2e: {  	s3 =	simm.s32 @!p0 $0x1082;
	s9 =	sld [smem:$0x3FB5]  }
0x2f: {  	lr =	sadd.s32 s0, s3;
	s0 =	sld [smem:$0x3FAC]  }
0x30: {  	s3 =	sld [smem:$0x3FAF]  }
0x31: {  	[smem:$0x3FB8] =	sst s10  }
0x32: {  	s10 =	sld [smem:$0x3FB6];
	_ =	sdelay $0x3  }
0x33: {  	p0 =	seq.s32 s10, $0x1;
	s10 =	sld [smem:$0x3FB8];
	_ =	sdelay $0x3  }
0x34: {  	[smem:$0x3FB8] =	sst s10  }
0x35: {  	s10 =	sld [smem:$0x3FB7];
	_ =	sdelay $0x3  }
0x36: {  	p1 =	seq.s32 s10, $0x1;
	s10 =	sld [smem:$0x3FB8];
	_ =	sdelay $0x3  }
0x37: {  	[smem:$0x3FB8] =	sst s10  }
0x38: {  	s10 =	sld [smem:$0x3FB9]  }
0x39: {  	_ = 	snop;
	(pc) =	sbr.ind lr, $3  }
0x3a: {  	_ = 	snop  }
0x3b: {  	_ = 	snop  }
0x3c: {  	p2 =	seq.s32 s10, $0x1;
	s10 =	sld [smem:$0x3FB8]  }
0x3d: {  	_ =	shalt  }
0x3e: {  	_ =	shalt  }
0x3f: {  	_ =	shalt  }
0x40: {  	_ =	shalt  }
0x41: {  	_ =	shalt  }
0x42: {  	_ =	shalt  }
0x43: {  	_ =	shalt  }
0x44: {  	_ =	shalt  }
0x45: {  	_ =	shalt  }
0x46: {  	_ =	shalt  }
0x47: {  	_ =	shalt  }
0x48: {  	_ =	shalt  }
0x49: {  	_ =	shalt  }
0x4a: {  	_ =	shalt  }
0x4b: {  	_ =	shalt  }
0x4c: {  	_ =	shalt  }
0x4d: {  	_ =	shalt  }
0x4e: {  	_ =	shalt  }
0x4f: {  	_ =	shalt  }
0x50: {  	_ =	shalt  }
0x51: {  	_ =	shalt  }
0x52: {  	_ =	shalt  }
0x53: {  	_ =	shalt  }
0x54: {  	_ =	shalt  }
0x55: {  	_ =	shalt  }
0x56: {  	_ =	shalt  }
0x57: {  	_ =	shalt  }
0x58: {  	_ =	shalt  }
0x59: {  	_ =	shalt  }
0x5a: {  	_ =	shalt  }
0x5b: {  	_ =	shalt  }
0x5c: {  	_ =	shalt  }
0x5d: {  	_ =	shalt  }
0x5e: {  	_ =	shalt  }
0x5f: {  	_ =	shalt  }
0x60: {  	_ =	shalt  }
0x61: {  	_ =	shalt  }
0x62: {  	_ =	shalt  }
0x63: {  	_ =	shalt  }
0x64: {  	_ =	shalt  }
0x65: {  	_ =	shalt  }
0x66: {  	_ =	shalt  }
0x67: {  	_ =	shalt  }
0x68: {  	_ =	shalt  }
0x69: {  	_ =	shalt  }
0x6a: {  	_ =	shalt  }
0x6b: {  	_ =	shalt  }
0x6c: {  	_ =	shalt  }
0x6d: {  	_ =	shalt  }
0x6e: {  	_ =	shalt  }
0x6f: {  	_ =	shalt  }
0x70: {  	_ =	shalt  }
0x71: {  	_ =	shalt  }
0x72: {  	_ =	shalt  }
0x73: {  	_ =	shalt  }
0x74: {  	_ =	shalt  }
0x75: {  	_ =	shalt  }
0x76: {  	_ =	shalt  }
0x77: {  	_ =	shalt  }
0x78: {  	_ =	shalt  }
0x79: {  	_ =	shalt  }
0x7a: {  	_ =	shalt  }
0x7b: {  	_ =	shalt  }
0x7c: {  	_ =	shalt  }
0x7d: {  	_ =	shalt  }
0x7e: {  	_ =	shalt  }
0x7f: {  	_ =	shalt  }
0x80: {  	_ =	shalt  }
0x81: {  	_ =	shalt  }
0x82: {  	_ =	shalt  }
0x83: {  	_ =	shalt  }
0x84: {  	_ =	shalt  }
0x85: {  	_ =	shalt  }
0x86: {  	_ =	shalt  }
0x87: {  	_ =	shalt  }
.Lfunc_end0:
.L_simem_size_0:
called_computation_lowered:
.L_overlay_start_0:
0x88: {  	s2 =	sld [smem:$0x3FD9]  }
0x89: {  	s3 =	sld [smem:$0x3FFE];
	_ =	sdelay $0x1  }
0x8a: {  	s1 =	srdreg.scid  }
0x8b: {  	s0 =	sand.u32 $0x1, s1  }
0x8c: {  	s17 =	sshll.u32 s0, $0xA;
	s2 =	sadd.s32 s3, s2  }
0x8d: {  	s2 =	sadd.s32 s2, s17  }
0x8e: {  	[smem:$0x3FC4] =	sst s2  }
0x8f: {  	_ = 	snop  }
0x90: {  	s2 =	sld [smem:$0x3FC9]  }
0x91: {  	s18 =	sld [smem:$0x3FD0];
	(tm) =	ssettm $0x1  }
0x92: {  	s4 =	sld [smem:$0x3FFB];
	_ =	sdelay $0x3  }
0x93: {  	_ =	strace s4  }
0x94: {  	s4 =	sld [smem:$0x3FFC];
	_ =	sdelay $0x3  }
0x95: {  	_ =	strace s4  }
0x96: {  	s4 =	sld [smem:$0x3FFD];
	_ =	sdelay $0x3  }
0x97: {  	_ =	strace s4  }
0x98: {  	_ =	strace $0x8FFFFFFF  }
0x99: {  	s19 =	sld [smem:$0x3FDB];
	_ =	sdelay $0x1  }
0x9a: {  	s5 =	simm.s32 $_scs_section_size  }
0x9b: {  	s6 =	simm.s32 $_size__tile_overlayer_lowered;
	s7 =	simm.s32 $_tile_overlayer_lowered  }
0x9c: {  	s22 =	simm.s32 $0x1BFF;
	s21 =	sshll.u32 s7, $0x1;
	s4 =	sadd.s32 s5, s19  }
0x9d: {  	s8 =	simm.s32 $0x0;
	s20 =	sshll.u32 s6, $0x1;
	s6 =	sadd.s32 s21, s4  }
0x9e: {  	[timem:s8], [sflag:s22] =	dma.local [hbm:s6], s20  }
0x9f: {  	_ =	swait.ge [sflag:s22], s20  }
0xa0: {  	s5 =	ssub.s32 $0x0, s20;
	[sflag:s22] =	ssyncset.done $0x0  }
0xa1: {  	[sflag:s22] =	ssyncadd.s32 s5;
	_ =	sdelay $0x1  }
0xa2: {  	s23 =	simm.s32 $0x1B8B  }
0xa3: {  	_ =	swait.ge [sflag:s23], $0x1  }
0xa4: {  	[sflag:s23] =	ssyncset.done $0x0  }
0xa5: {  	s25 =	simm.s32 $0x1B8E;
	s24 =	sld [smem:$0x3FFE];
	[sflag:s23] =	ssyncadd.s32 $0xFFFFFFFF  }
0xa6: {  	s26 =	simm.s32 $execute0_lowered;
	[smem:$0x3FD2] =	sst s25  }
0xa7: {  	s6 =	sshll.u32 s26, $0x1;
	_ =	strace $0x80000046;
	[dreg:$0x1] =	wrdreg $0xFFFFFFFF  }
0xa8: {  	s28 =	simm.s32 $_size_execute0_lowered;
	s4 =	sadd.s32 s4, s6;
	[dreg:$0x0] =	wrdreg $0x0  }
0xa9: {  	s6 =	sshll.u32 s28, $0x1;
	[dreg:$0x2] =	wrdreg s4  }
0xaa: {  	[dreg:$0x3] =	wrdreg s6  }
0xab: {  	[dreg:$0x4] =	wrdreg $0xC0  }
0xac: {  	_ =	task [dreg:s8], $0x5FFFF  }
0xad: {  	[dreg:$0x1] =	wrdreg $0xFFFFFFFF  }
0xae: {  	[dreg:$0x0] =	wrdreg $0x60  }
0xaf: {  	[dreg:$0x2] =	wrdreg s2  }
0xb0: {  	[dreg:$0x3] =	wrdreg s18  }
0xb1: {  	[dreg:$0x4] =	wrdreg s24  }
0xb2: {  	[dreg:$0x5] =	wrdreg $0x9  }
0xb3: {  	_ =	task.clear_ibuf [dreg:s8], $0x6FFFF;
	_ =	strace $0x90000046  }
0xb4: {  	s29 =	simm.s32 $0x9;
	_ =	strace $0x80000048  }
0xb5: {  	_ =	swait.ge [sflag:s29], $0x1  }
0xb6: {  	[sflag:s29] =	ssyncadd.s32 $0xFFFFFFFF  }
0xb7: {  	_ =	strace $0x90000048  }
0xb8: {  	_ =	sfence  }
0xb9: {  	s30 =	sld [smem:$0x0];
	_ =	sdelay $0x2  }
0xba: {  	s31 =	sshll.u32 s1, $0xD;
	s1 =	sshrl.u32 s1, $0x2  }
0xbb: {  	s3 =	sand.u32 $0x4000, s31;
	s1 =	sadd.s32 s1, s30  }
0xbc: {  	s0 =	sor.u32 s3, s0;
	s1 =	sshll.u32 s1, $0x11  }
0xbd: {  	s0 =	sor.u32 s1, s0  }
0xbe: {  	s0 =	sadd.s32 $0x8F2B, s0  }
0xbf: {  	[sflag:s0] =	ssyncadd.remote.s32 $0x1  }
0xc0: {  	_ =	sfence.sel $0xFFFF  }
0xc1: {  	[dreg:$0x0] =	wrdreg $0xFFFFFFFF;
	(pc) =	sbr.abs _section_cstart, $3  }
0xc2: {  	[dreg:$0x1] =	wrdreg $0xFFFFFFFF  }
0xc3: {  	_ =	task.clear_ibuf [dreg:s8], $0x2FFFF;
	_ =	strace $0x9FFFFFFF  }
0xc4: {  	(tm) =	ssettm $0x7FFFFFFF  }
0xc5: {  	_ =	shalt  }
tec
execute0_lowered:
.L_overlay_start_1:
0x0: {  	(tag) =	ssettag $0x1  }
0x1: {  	s1 =	srdreg.scid  }
0x2: {  	s3 =	rddreg [dreg:$0x0];
	s0 =	stileid.u32;
	s1 =	sand.u32 $0x1, s1  }
0x3: {  	s4 =	rddreg [dreg:$0x1];
	s2 =	sshll.u32 s0, $0x5;
	s5 =	sshll.u32 s1, $0x4  }
0x4: {  	s6 =	rddreg [dreg:$0x2];
	s5 =	sor.u32 s5, s2;
	s2 =	simm.s32 $0x0  }
0x5: {  	[smem:$0x7FF] =	sst s2;
	s4 =	sadd.s32 s4, s5  }
0x6: {  	s24 =	simm.s32 $0x880;
	_ =	strace $0x80000047;
	[dreg:$0x4] =	wrdreg s4  }
0x7: {  	s25 =	simm.s32 $0x1080;
	[dreg:$0x6] =	wrdreg s24  }
0x8: {  	s26 =	simm.s32 $0x1880;
	[dreg:$0x7] =	wrdreg s25  }
0x9: {  	s0 =	simm.s32 $0x2080;
	[dreg:$0x8] =	wrdreg s26  }
0xa: {  	s7 =	sand.u32 $0xF0, s5;
	s5 =	simm.s32 $0x3080;
	[dreg:$0x9] =	wrdreg s0  }
0xb: {  	s8 =	simm.s32 $0x4080;
	[dreg:$0xb] =	wrdreg s5  }
0xc: {  	s9 =	simm.s32 $0x4880;
	[dreg:$0xd] =	wrdreg s8  }
0xd: {  	s10 =	simm.s32 $0x5080;
	[dreg:$0xe] =	wrdreg s9  }
0xe: {  	s11 =	simm.s32 $0x5880;
	[dreg:$0xf] =	wrdreg s10  }
0xf: {  	s12 =	simm.s32 $0x6080;
	[dreg:$0x10] =	wrdreg s11  }
0x10: {  	s13 =	simm.s32 $0x6880;
	[dreg:$0x11] =	wrdreg s12  }
0x11: {  	s14 =	simm.s32 $0x7080;
	s15 =	simm.s32 $0x7880;
	[dreg:$0x12] =	wrdreg s13  }
0x12: {  	s16 =	simm.s32 $0x8080;
	s17 =	simm.s32 $0x8880;
	[dreg:$0x13] =	wrdreg s14  }
0x13: {  	s18 =	simm.s32 $0x9080;
	s20 =	simm.s32 $0x9880;
	[dreg:$0x14] =	wrdreg s15  }
0x14: {  	s21 =	simm.s32 $0xA080;
	s22 =	simm.s32 $0xA880;
	[dreg:$0x15] =	wrdreg s16  }
0x15: {  	s23 =	simm.s32 $0xB080;
	s28 =	simm.s32 $0x15880;
	[dreg:$0x16] =	wrdreg s17  }
0x16: {  	s29 =	simm.s32 $0x16080;
	s1 =	ssub.s32 $0x2, s1;
	[dreg:$0x17] =	wrdreg s18  }
0x17: {  	s30 =	simm.s32 $0x16880;
	s19 =	sshrl.u32 s1, $0x1;
	[dreg:$0x18] =	wrdreg s20  }
0x18: {  	s31 =	simm.s32 $0x17080;
	s1 =	ssub.s32 s1, s19;
	[dreg:$0x19] =	wrdreg s21  }
0x19: {  	s19 =	simm.s32 $0x11880;
	s7 =	smul.u32 $0x300, s7;
	[dreg:$0x1a] =	wrdreg s22  }
0x1a: {  	s4 =	simm.s32 $0x2880;
	s5 =	sadd.s32 $0x10800, s6;
	[dreg:$0x1b] =	wrdreg s23  }
0x1b: {  	s24 =	simm.s32 $0xB880;
	s25 =	simm.s32 $0xC080;
	s8 =	simm.s32 $0x2  }
0x1c: {  	s26 =	simm.s32 $0xC880;
	s9 =	simm.s32 $0x1;
	s11 =	simm.s32 $0xD880  }
0x1d: {  	s12 =	simm.s32 $0xE080;
	s13 =	simm.s32 $0xE880;
	s14 =	simm.s32 $0xF080  }
0x1e: {  	s15 =	simm.s32 $0xF880;
	s16 =	simm.s32 $0x10080;
	s17 =	simm.s32 $0x10880  }
0x1f: {  	s18 =	simm.s32 $0x11080;
	s20 =	simm.s32 $0x12080;
	[dreg:$0xa] =	wrdreg s4  }
0x20: {  	s21 =	simm.s32 $0x12880;
	s22 =	simm.s32 $0x13080;
	[dreg:$0x1c] =	wrdreg s24  }
0x21: {  	s23 =	simm.s32 $0x13880;
	s4 =	sadd.s32 $0x10700, s6;
	[dreg:$0x1d] =	wrdreg s25  }
0x22: {  	[dreg:$0x1e] =	wrdreg s26;
	s24 =	simm.s32 $0x14080;
	s3 =	sadd.s32 s3, s7  }
0x23: {  	v2 =	vlaneseq.u32;
	s25 =	simm.s32 $0x14880;
	s7 =	simm.s32 $0x3880;
	[dreg:$0x5] =	wrdreg s3  }
0x24: {  	vm0 =	vmmov $0xffff;
	v1 =	vshrl.u32 v2, $0x3;
	s26 =	simm.s32 $0x15080;
	[dreg:$0xc] =	wrdreg s7;
	s3 =	sadd.s32 $0x10600, s6  }
0x25: {  	v0 =	vand.u32 $0x7, v2;
	v2 =	vor.u32 $0x8, v2;
	v1 =	vmul.u32 $0x8, v1;
	s6 =	smax.u32 s1, $0x1;
	s7 =	simm.s32 $0x80;
	s1 =	simm.s32 $0x17880  }
.LBB2_1:
0x26: {  	s0 =	rddreg [dreg:$0x4]  }
0x27: {  	[tilespmem:s2], [sflag:$0x2] =	stream.linear.gather [hbm4b:s0+s2], $0x80, $0x38;
	[tilespmem:$0x18080] =	vst v63  }
0x28: {  	s10 =	rddreg [dreg:$0x5]  }
0x29: {  	[tilespmem:s7], [sflag:$0x1] =	stream.linear.gather [hbm4b:s10+s2], $0x18000, $0x38;
	[tilespmem:$0x18080] =	vst v63  }
0x2a: {  	_ =	swait.ge [sflag:s8], $0x80  }
0x2b: {  	[sflag:s8] =	ssyncset.done $0x0  }
0x2c: {  	[sflag:s8] =	ssyncadd.s32 $0xFFFFFF80  }
0x2d: {  	_ =	swait.ge [sflag:s9], $0x18000  }
0x2e: {  	[sflag:s9] =	ssyncset.done $0x0  }
0x2f: {  	[sflag:s9] =	ssyncadd.s32 $0xFFFE8000  }
0x30: {  	v3 =	vld [tilespmem:$0x0];
	_ =	sdelay $0x4  }
0x31: {  	v4 =	vshrl.u32 v3, $0x3  }
0x32: {  	v4 =	vmul.u32 $0x30, v4  }
0x33: {  	v3 =	vand.u32 $0x7, v3  }
0x34: {  	v3 =	vor.u32 v3, v4  }
0x35: {  	v4 =	vperm.xlane v3, v0;
	_ =	sdelay $0x1  }
0x36: {  	v4 =	vadd.s32 v1, v4;
	_ =	sdelay $0x3  }
0x37: {  	v3 =	vperm.xlane v3, v2  }
0x38: {  	[hbm4b:s3+s2] =	stream.indirect_vreg.scatter [tilespmem:s7], [sflag:$0x1], $0x80, v4, vm0, $0xb8;
	[tilespmem:$0x18080] =	vst v63  }
0x39: {  	s0 =	rddreg [dreg:$0x6];
	v3 =	vadd.s32 v1, v3  }
0x3a: {  	[hbm4b:s4+s2] =	stream.indirect_vreg.scatter [tilespmem:s0], [sflag:$0x1], $0x80, v4, vm0, $0xb8;
	[tilespmem:$0x18080] =	vst v63  }
0x3b: {  	s10 =	rddreg [dreg:$0x7]  }
0x3c: {  	[hbm4b:s5+s2] =	stream.indirect_vreg.scatter [tilespmem:s10], [sflag:$0x1], $0x80, v4, vm0, $0xb8;
	[tilespmem:$0x18080] =	vst v63  }
0x3d: {  	s0 =	rddreg [dreg:$0x8]  }
0x3e: {  	[hbm4b:s3+s2] =	stream.indirect_vreg.scatter [tilespmem:s0], [sflag:$0x1], $0x80, v3, vm0, $0xb8;
	[tilespmem:$0x18080] =	vst v63  }
0x3f: {  	s10 =	rddreg [dreg:$0x9]  }
0x40: {  	[hbm4b:s4+s2] =	stream.indirect_vreg.scatter [tilespmem:s10], [sflag:$0x1], $0x80, v3, vm0, $0xb8;
	[tilespmem:$0x18080] =	vst v63  }
0x41: {  	s0 =	rddreg [dreg:$0xa]  }
0x42: {  	[hbm4b:s5+s2] =	stream.indirect_vreg.scatter [tilespmem:s0], [sflag:$0x1], $0x80, v3, vm0, $0xb8;
	[tilespmem:$0x18080] =	vst v63  }
0x43: {  	v3 =	vld [tilespmem:$0x10];
	_ =	sdelay $0x4  }
0x44: {  	v57 =	vshrl.u32 v3, $0x3  }
0x45: {  	v4 =	vmul.u32 $0x30, v57  }
0x46: {  	v3 =	vand.u32 $0x7, v3  }
0x47: {  	v3 =	vor.u32 v3, v4  }
0x48: {  	v4 =	vperm.xlane v3, v0;
	_ =	sdelay $0x1  }
0x49: {  	v4 =	vadd.s32 v1, v4;
	_ =	sdelay $0x3  }
0x4a: {  	s0 =	rddreg [dreg:$0xb];
	v3 =	vperm.xlane v3, v2  }
0x4b: {  	[hbm4b:s3+s2] =	stream.indirect_vreg.scatter [tilespmem:s0], [sflag:$0x1], $0x80, v4, vm0, $0xb8;
	[tilespmem:$0x18080] =	vst v63  }
0x4c: {  	s10 =	rddreg [dreg:$0xc];
	v3 =	vadd.s32 v1, v3  }
0x4d: {  	[hbm4b:s4+s2] =	stream.indirect_vreg.scatter [tilespmem:s10], [sflag:$0x1], $0x80, v4, vm0, $0xb8;
	[tilespmem:$0x18080] =	vst v63  }
0x4e: {  	s0 =	rddreg [dreg:$0xd]  }
0x4f: {  	[hbm4b:s5+s2] =	stream.indirect_vreg.scatter [tilespmem:s0], [sflag:$0x1], $0x80, v4, vm0, $0xb8;
	[tilespmem:$0x18080] =	vst v63  }
0x50: {  	s10 =	rddreg [dreg:$0xe]  }
0x51: {  	[hbm4b:s3+s2] =	stream.indirect_vreg.scatter [tilespmem:s10], [sflag:$0x1], $0x80, v3, vm0, $0xb8;
	[tilespmem:$0x18080] =	vst v63  }
0x52: {  	s0 =	rddreg [dreg:$0xf]  }
0x53: {  	[hbm4b:s4+s2] =	stream.indirect_vreg.scatter [tilespmem:s0], [sflag:$0x1], $0x80, v3, vm0, $0xb8;
	[tilespmem:$0x18080] =	vst v63  }
0x54: {  	s10 =	rddreg [dreg:$0x10]  }
0x55: {  	[hbm4b:s5+s2] =	stream.indirect_vreg.scatter [tilespmem:s10], [sflag:$0x1], $0x80, v3, vm0, $0xb8;
	[tilespmem:$0x18080] =	vst v63  }
0x56: {  	v3 =	vld [tilespmem:$0x20];
	_ =	sdelay $0x4  }
0x57: {  	v58 =	vshrl.u32 v3, $0x3  }
0x58: {  	v4 =	vmul.u32 $0x30, v58  }
0x59: {  	v3 =	vand.u32 $0x7, v3  }
0x5a: {  	v3 =	vor.u32 v3, v4  }
0x5b: {  	v4 =	vperm.xlane v3, v0;
	_ =	sdelay $0x1  }
0x5c: {  	v4 =	vadd.s32 v1, v4;
	_ =	sdelay $0x3  }
0x5d: {  	s0 =	rddreg [dreg:$0x11];
	v3 =	vperm.xlane v3, v2  }
0x5e: {  	[hbm4b:s3+s2] =	stream.indirect_vreg.scatter [tilespmem:s0], [sflag:$0x1], $0x80, v4, vm0, $0xb8;
	[tilespmem:$0x18080] =	vst v63  }
0x5f: {  	s10 =	rddreg [dreg:$0x12];
	v3 =	vadd.s32 v1, v3  }
0x60: {  	[hbm4b:s4+s2] =	stream.indirect_vreg.scatter [tilespmem:s10], [sflag:$0x1], $0x80, v4, vm0, $0xb8;
	[tilespmem:$0x18080] =	vst v63  }
0x61: {  	s0 =	rddreg [dreg:$0x13]  }
0x62: {  	[hbm4b:s5+s2] =	stream.indirect_vreg.scatter [tilespmem:s0], [sflag:$0x1], $0x80, v4, vm0, $0xb8;
	[tilespmem:$0x18080] =	vst v63  }
0x63: {  	s10 =	rddreg [dreg:$0x14]  }
0x64: {  	[hbm4b:s3+s2] =	stream.indirect_vreg.scatter [tilespmem:s10], [sflag:$0x1], $0x80, v3, vm0, $0xb8;
	[tilespmem:$0x18080] =	vst v63  }
0x65: {  	s0 =	rddreg [dreg:$0x15]  }
0x66: {  	[hbm4b:s4+s2] =	stream.indirect_vreg.scatter [tilespmem:s0], [sflag:$0x1], $0x80, v3, vm0, $0xb8;
	[tilespmem:$0x18080] =	vst v63  }
0x67: {  	s10 =	rddreg [dreg:$0x16]  }
0x68: {  	[hbm4b:s5+s2] =	stream.indirect_vreg.scatter [tilespmem:s10], [sflag:$0x1], $0x80, v3, vm0, $0xb8;
	[tilespmem:$0x18080] =	vst v63  }
0x69: {  	v3 =	vld [tilespmem:$0x30];
	_ =	sdelay $0x4  }
0x6a: {  	v59 =	vshrl.u32 v3, $0x3  }
0x6b: {  	v4 =	vmul.u32 $0x30, v59  }
0x6c: {  	v3 =	vand.u32 $0x7, v3  }
0x6d: {  	v3 =	vor.u32 v3, v4  }
0x6e: {  	v4 =	vperm.xlane v3, v0;
	_ =	sdelay $0x1  }
0x6f: {  	v4 =	vadd.s32 v1, v4;
	_ =	sdelay $0x3  }
0x70: {  	s0 =	rddreg [dreg:$0x17];
	v3 =	vperm.xlane v3, v2  }
0x71: {  	[hbm4b:s3+s2] =	stream.indirect_vreg.scatter [tilespmem:s0], [sflag:$0x1], $0x80, v4, vm0, $0xb8;
	[tilespmem:$0x18080] =	vst v63  }
0x72: {  	s10 =	rddreg [dreg:$0x18];
	v3 =	vadd.s32 v1, v3  }
0x73: {  	[hbm4b:s4+s2] =	stream.indirect_vreg.scatter [tilespmem:s10], [sflag:$0x1], $0x80, v4, vm0, $0xb8;
	[tilespmem:$0x18080] =	vst v63  }
0x74: {  	s0 =	rddreg [dreg:$0x19]  }
0x75: {  	[hbm4b:s5+s2] =	stream.indirect_vreg.scatter [tilespmem:s0], [sflag:$0x1], $0x80, v4, vm0, $0xb8;
	[tilespmem:$0x18080] =	vst v63  }
0x76: {  	s10 =	rddreg [dreg:$0x1a]  }
0x77: {  	[hbm4b:s3+s2] =	stream.indirect_vreg.scatter [tilespmem:s10], [sflag:$0x1], $0x80, v3, vm0, $0xb8;
	[tilespmem:$0x18080] =	vst v63  }
0x78: {  	s0 =	rddreg [dreg:$0x1b]  }
0x79: {  	[hbm4b:s4+s2] =	stream.indirect_vreg.scatter [tilespmem:s0], [sflag:$0x1], $0x80, v3, vm0, $0xb8;
	[tilespmem:$0x18080] =	vst v63  }
0x7a: {  	s10 =	rddreg [dreg:$0x1c]  }
0x7b: {  	[hbm4b:s5+s2] =	stream.indirect_vreg.scatter [tilespmem:s10], [sflag:$0x1], $0x80, v3, vm0, $0xb8;
	[tilespmem:$0x18080] =	vst v63  }
0x7c: {  	v3 =	vld [tilespmem:$0x40];
	_ =	sdelay $0x4  }
0x7d: {  	v60 =	vshrl.u32 v3, $0x3  }
0x7e: {  	v4 =	vmul.u32 $0x30, v60  }
0x7f: {  	v3 =	vand.u32 $0x7, v3  }
0x80: {  	v3 =	vor.u32 v3, v4  }
0x81: {  	v4 =	vperm.xlane v3, v0;
	_ =	sdelay $0x1  }
0x82: {  	v4 =	vadd.s32 v1, v4;
	_ =	sdelay $0x3  }
0x83: {  	s0 =	rddreg [dreg:$0x1d];
	v3 =	vperm.xlane v3, v2  }
0x84: {  	[hbm4b:s3+s2] =	stream.indirect_vreg.scatter [tilespmem:s0], [sflag:$0x1], $0x80, v4, vm0, $0xb8;
	[tilespmem:$0x18080] =	vst v63  }
0x85: {  	s10 =	rddreg [dreg:$0x1e];
	v3 =	vadd.s32 v1, v3  }
0x86: {  	[hbm4b:s4+s2] =	stream.indirect_vreg.scatter [tilespmem:s10], [sflag:$0x1], $0x80, v4, vm0, $0xb8;
	[tilespmem:$0x18080] =	vst v63  }
0x87: {  	s10 =	simm.s32 $0xD080  }
0x88: {  	[hbm4b:s5+s2] =	stream.indirect_vreg.scatter [tilespmem:s10], [sflag:$0x1], $0x80, v4, vm0, $0xb8;
	[tilespmem:$0x18080] =	vst v63  }
0x89: {  	_ = 	snop  }
0x8a: {  	[hbm4b:s3+s2] =	stream.indirect_vreg.scatter [tilespmem:s11], [sflag:$0x1], $0x80, v3, vm0, $0xb8;
	[tilespmem:$0x18080] =	vst v63  }
0x8b: {  	_ = 	snop  }
0x8c: {  	[hbm4b:s4+s2] =	stream.indirect_vreg.scatter [tilespmem:s12], [sflag:$0x1], $0x80, v3, vm0, $0xb8;
	[tilespmem:$0x18080] =	vst v63  }
0x8d: {  	_ = 	snop  }
0x8e: {  	[hbm4b:s5+s2] =	stream.indirect_vreg.scatter [tilespmem:s13], [sflag:$0x1], $0x80, v3, vm0, $0xb8;
	[tilespmem:$0x18080] =	vst v63  }
0x8f: {  	v3 =	vld [tilespmem:$0x50];
	_ =	sdelay $0x4  }
0x90: {  	v61 =	vshrl.u32 v3, $0x3  }
0x91: {  	v4 =	vmul.u32 $0x30, v61  }
0x92: {  	v3 =	vand.u32 $0x7, v3  }
0x93: {  	v3 =	vor.u32 v3, v4  }
0x94: {  	v4 =	vperm.xlane v3, v0;
	_ =	sdelay $0x1  }
0x95: {  	v4 =	vadd.s32 v1, v4;
	_ =	sdelay $0x3  }
0x96: {  	v3 =	vperm.xlane v3, v2  }
0x97: {  	[hbm4b:s3+s2] =	stream.indirect_vreg.scatter [tilespmem:s14], [sflag:$0x1], $0x80, v4, vm0, $0xb8;
	[tilespmem:$0x18080] =	vst v63  }
0x98: {  	v3 =	vadd.s32 v1, v3  }
0x99: {  	[hbm4b:s4+s2] =	stream.indirect_vreg.scatter [tilespmem:s15], [sflag:$0x1], $0x80, v4, vm0, $0xb8;
	[tilespmem:$0x18080] =	vst v63  }
0x9a: {  	_ = 	snop  }
0x9b: {  	[hbm4b:s5+s2] =	stream.indirect_vreg.scatter [tilespmem:s16], [sflag:$0x1], $0x80, v4, vm0, $0xb8;
	[tilespmem:$0x18080] =	vst v63  }
0x9c: {  	_ = 	snop  }
0x9d: {  	[hbm4b:s3+s2] =	stream.indirect_vreg.scatter [tilespmem:s17], [sflag:$0x1], $0x80, v3, vm0, $0xb8;
	[tilespmem:$0x18080] =	vst v63  }
0x9e: {  	_ = 	snop  }
0x9f: {  	[hbm4b:s4+s2] =	stream.indirect_vreg.scatter [tilespmem:s18], [sflag:$0x1], $0x80, v3, vm0, $0xb8;
	[tilespmem:$0x18080] =	vst v63  }
0xa0: {  	_ = 	snop  }
0xa1: {  	[hbm4b:s5+s2] =	stream.indirect_vreg.scatter [tilespmem:s19], [sflag:$0x1], $0x80, v3, vm0, $0xb8;
	[tilespmem:$0x18080] =	vst v63  }
0xa2: {  	v3 =	vld [tilespmem:$0x60];
	_ =	sdelay $0x4  }
0xa3: {  	v62 =	vshrl.u32 v3, $0x3  }
0xa4: {  	v4 =	vmul.u32 $0x30, v62  }
0xa5: {  	v3 =	vand.u32 $0x7, v3  }
0xa6: {  	v3 =	vor.u32 v3, v4  }
0xa7: {  	v4 =	vperm.xlane v3, v0;
	_ =	sdelay $0x1  }
0xa8: {  	v4 =	vadd.s32 v1, v4;
	_ =	sdelay $0x3  }
0xa9: {  	v3 =	vperm.xlane v3, v2  }
0xaa: {  	[hbm4b:s3+s2] =	stream.indirect_vreg.scatter [tilespmem:s20], [sflag:$0x1], $0x80, v4, vm0, $0xb8;
	[tilespmem:$0x18080] =	vst v63  }
0xab: {  	v3 =	vadd.s32 v1, v3  }
0xac: {  	[hbm4b:s4+s2] =	stream.indirect_vreg.scatter [tilespmem:s21], [sflag:$0x1], $0x80, v4, vm0, $0xb8;
	[tilespmem:$0x18080] =	vst v63  }
0xad: {  	_ = 	snop  }
0xae: {  	[hbm4b:s5+s2] =	stream.indirect_vreg.scatter [tilespmem:s22], [sflag:$0x1], $0x80, v4, vm0, $0xb8;
	[tilespmem:$0x18080] =	vst v63  }
0xaf: {  	_ = 	snop  }
0xb0: {  	[hbm4b:s3+s2] =	stream.indirect_vreg.scatter [tilespmem:s23], [sflag:$0x1], $0x80, v3, vm0, $0xb8;
	[tilespmem:$0x18080] =	vst v63  }
0xb1: {  	_ = 	snop  }
0xb2: {  	[hbm4b:s4+s2] =	stream.indirect_vreg.scatter [tilespmem:s24], [sflag:$0x1], $0x80, v3, vm0, $0xb8;
	[tilespmem:$0x18080] =	vst v63  }
0xb3: {  	_ = 	snop  }
0xb4: {  	[hbm4b:s5+s2] =	stream.indirect_vreg.scatter [tilespmem:s25], [sflag:$0x1], $0x80, v3, vm0, $0xb8;
	[tilespmem:$0x18080] =	vst v63  }
0xb5: {  	v3 =	vld [tilespmem:$0x70];
	_ =	sdelay $0x4  }
0xb6: {  	v63 =	vshrl.u32 v3, $0x3  }
0xb7: {  	v4 =	vmul.u32 $0x30, v63  }
0xb8: {  	v3 =	vand.u32 $0x7, v3  }
0xb9: {  	v3 =	vor.u32 v3, v4  }
0xba: {  	v4 =	vperm.xlane v3, v0;
	_ =	sdelay $0x1  }
0xbb: {  	v4 =	vadd.s32 v1, v4;
	_ =	sdelay $0x3  }
0xbc: {  	v3 =	vperm.xlane v3, v2  }
0xbd: {  	[hbm4b:s3+s2] =	stream.indirect_vreg.scatter [tilespmem:s26], [sflag:$0x1], $0x80, v4, vm0, $0xb8;
	[tilespmem:$0x18080] =	vst v63  }
0xbe: {  	v3 =	vadd.s32 v1, v3  }
0xbf: {  	[hbm4b:s4+s2] =	stream.indirect_vreg.scatter [tilespmem:s28], [sflag:$0x1], $0x80, v4, vm0, $0xb8;
	[tilespmem:$0x18080] =	vst v63  }
0xc0: {  	_ = 	snop  }
0xc1: {  	[hbm4b:s5+s2] =	stream.indirect_vreg.scatter [tilespmem:s29], [sflag:$0x1], $0x80, v4, vm0, $0xb8;
	[tilespmem:$0x18080] =	vst v63  }
0xc2: {  	_ = 	snop  }
0xc3: {  	[hbm4b:s3+s2] =	stream.indirect_vreg.scatter [tilespmem:s30], [sflag:$0x1], $0x80, v3, vm0, $0xb8;
	[tilespmem:$0x18080] =	vst v63  }
0xc4: {  	p0 =	sne.s32 s6, $0x1  }
0xc5: {  	[hbm4b:s4+s2] =	stream.indirect_vreg.scatter [tilespmem:s31], [sflag:$0x1], $0x80, v3, vm0, $0xb8;
	[tilespmem:$0x18080] =	vst v63  }
.Ltmp0:
0xc6: {  	_ = 	snop;
	(pc) =	sbr.rel @p0 .LBB2_1-.Ltmp0, $4  }
0xc7: {  	[hbm4b:s5+s2] =	stream.indirect_vreg.scatter [tilespmem:s1], [sflag:$0x1], $0x80, v3, vm0, $0xb8;
	[tilespmem:$0x18080] =	vst v63  }
0xc8: {  	_ =	swait.ge [sflag:s9], $0x18000  }
0xc9: {  	[sflag:s9] =	ssyncset.done $0x0  }
0xca: {  	s6 =	sadd.s32 $0xFFFFFFFF, s6;
	[sflag:s9] =	ssyncadd.s32 $0xFFFE8000  }
0xcb: {  	_ =	sfence.sel $0x180000  }
0xcc: {  	[bflag:$0x0] =	sbarrier.arrive $0xFFFF  }
0xcd: {  	_ =	strace $0x90000047  }
0xce: {  	s0 =	stileid.u32;
	[bflag:$0x2] =	sbarrier.arrive $0xFFFF  }
0xcf: {  	p0 =	sne.s32 s0, $0x0;
	s0 =	rddreg [dreg:$0x3]  }
0xd0: {  	s0 =	sadd.s32 @!p0 $0x100000, s0  }
0xd1: {  	[sflag:s0] =	ssyncadd.tile.s32 @!p0 $0x1;
	_ =	shalt  }
.Lfunc_end2:
_tile_overlayer_lowered:
.L_overlay_start_2:
0xd2: {  	(tag) =	ssettag $0x2  }
0xd3: {  	s0 =	rddreg [dreg:$0x0];
	s2 =	stileid.u32  }
0xd4: {  	s1 =	rddreg [dreg:$0x1];
	p0 =	sne.s32 s2, $0x0  }
0xd5: {  	s3 =	rddreg [dreg:$0x2];
	[bflag:$0x3] =	sbarrier.arrive $0xFFFF;
	s2 =	simm.s32 @!p0 $0x1C03  }
0xd6: {  	[timem:s3], [sflag:s2] =	dma.local @!p0 [hbm:s0], s1  }
0xd7: {  	s0 =	simm.s32 @!p0 $0x3  }
0xd8: {  	_ =	swait.ge @!p0 [sflag:s0], s1  }
0xd9: {  	s1 =	ssub.s32 @!p0 $0x0, s1;
	[sflag:s0] =	ssyncset.done @!p0 $0x0  }
0xda: {  	[sflag:s0] =	ssyncadd.s32 @!p0 s1  }
0xdb: {  	[bflag:$0x3] =	sbarrier.arrive $0xFFFF  }
0xdc: {  	_ =	shalt  }

// kernel: kernel.9.cloned.1.call-start
scs
__scs_entry_jumppad:
0x0: {  	(pc) =	sbr.rel $0x88, $3  }
0x1: {  	(tag) =	ssettag $0x0;
	lr =	simm.s32 $0x1  }
0x2: {  	[smem:$0x3F9D] =	sst lr;
	_ =	strace $0xD0000000  }
0x3: {  	_ = 	snop  }
0x4: {  	_ = 	snop  }
0x5: {  	_ = 	snop  }
0x6: {  	_ = 	snop  }
0x7: {  	_ = 	snop  }
__scs_overlays_trampoline_lowered:
0x8: {  	[smem:$0x3FAC] =	sst s0  }
0x9: {  	[smem:$0x3FAD] =	sst s1  }
0xa: {  	[smem:$0x3FAE] =	sst s2  }
0xb: {  	[smem:$0x3FAF] =	sst s3  }
0xc: {  	[smem:$0x3FB0] =	sst s4  }
0xd: {  	[smem:$0x3FB1] =	sst s5  }
0xe: {  	[smem:$0x3FB2] =	sst s6  }
0xf: {  	[smem:$0x3FB3] =	sst s7  }
0x10: {  	[smem:$0x3FB4] =	sst s8  }
0x11: {  	[smem:$0x3FB5] =	sst s9;
	s0 =	simm.s32 @!p0 $0x0  }
0x12: {  	s1 =	sld [smem:$0x3F9B];
	s0 =	simm.s32 @p0 $0x1  }
0x13: {  	[smem:$0x3FB6] =	sst s0;
	s0 =	simm.s32 @!p1 $0x0  }
0x14: {  	s2 =	sld [smem:$0x3F9A];
	s0 =	simm.s32 @p1 $0x1  }
0x15: {  	[smem:$0x3FB7] =	sst s0;
	s0 =	simm.s32 @!p2 $0x0  }
0x16: {  	s3 =	sld [smem:$0x3FDB];
	s0 =	simm.s32 @p2 $0x1  }
0x17: {  	s4 =	simm.s32 $0x1BF5;
	[smem:$0x3FB9] =	sst s0  }
0x18: {  	s0 =	sld [smem:$0x3F9C];
	_ =	swait.ge [sflag:s4], $0x0  }
0x19: {  	s7 =	sld [smem:$0x3F9D]  }
0x1a: {  	s8 =	sadd.s32 $0xFFFFE003, lr  }
0x1b: {  	s9 =	sadd.s32 $0xFFFFFEF7, lr;
	s5 =	simm.s32 $0xFFFFFFFF;
	p2 =	slt.u32 s8, $0xFFFFF086  }
0x1c: {  	p1 =	slt.u32 s9, $0xF7A;
	s5 =	simm.s32 @!p2 $0x0  }
0x1d: {  	s5 =	simm.s32 @p1 $0x1;
	p0 =	seq.s32 s7, s2  }
0x1e: {  	s7 =	smul.u32 @!p0 $0xF7A, s2;
	p2 =	seq.s32 @!p0 s5, $0x0  }
0x1f: {  	s9 =	smul.u32 $0xF7A, s1;
	s8 =	simm.s32 @!p0 $0x1BF5;
	p2 =	por !p2, p0  }
0x20: {  	[sflag:s8] =	ssyncset.s32 @!p0 $0xFFFFF086;
	s6 =	sadd.s32 @!p0 s3, s7;
	s7 =	simm.s32 @!p0 $0x108  }
0x21: {  	s3 =	sadd.s32 s3, s9;
	s6 =	sadd.s32 @!p0 $0x88, s6;
	s7 =	simm.s32 @p2 $0x1082  }
0x22: {  	[simem:s7], [sflag:s8] =	dma.local @!p0 [hbm:s6], $0xF7A  }
0x23: {  	s9 =	sor.u32 $0xD0000000, s2;
	s6 =	simm.s32 $0x108;
	_ =	swait.ge @!p0 [sflag:s8], $0x0  }
0x24: {  	s3 =	sadd.s32 $0x88, s3;
	s6 =	simm.s32 @!p1 $0x1082;
	[sflag:s4] =	ssyncset.s32 $0xFFFFF086  }
0x25: {  	[simem:s6], [sflag:s4] =	dma.local [hbm:s3], $0xF7A  }
0x26: {  	[smem:$0x3F9D] =	sst s1;
	(tag) =	ssettag s2;
	_ =	strace s9  }
0x27: {  	s1 =	sld [smem:$0x3FAD]  }
0x28: {  	s2 =	sld [smem:$0x3FAE]  }
0x29: {  	s4 =	sld [smem:$0x3FB0]  }
0x2a: {  	p0 =	seq.s32 s5, $0x0;
	s5 =	sld [smem:$0x3FB1]  }
0x2b: {  	s6 =	sld [smem:$0x3FB2]  }
0x2c: {  	s7 =	sld [smem:$0x3FB3]  }
0x2d: {  	s3 =	simm.s32 $0x108;
	s8 =	sld [smem:$0x3FB4]  }
0x2e: {  	s3 =	simm.s32 @!p0 $0x1082;
	s9 =	sld [smem:$0x3FB5]  }
0x2f: {  	lr =	sadd.s32 s0, s3;
	s0 =	sld [smem:$0x3FAC]  }
0x30: {  	s3 =	sld [smem:$0x3FAF]  }
0x31: {  	[smem:$0x3FB8] =	sst s10  }
0x32: {  	s10 =	sld [smem:$0x3FB6];
	_ =	sdelay $0x3  }
0x33: {  	p0 =	seq.s32 s10, $0x1;
	s10 =	sld [smem:$0x3FB8];
	_ =	sdelay $0x3  }
0x34: {  	[smem:$0x3FB8] =	sst s10  }
0x35: {  	s10 =	sld [smem:$0x3FB7];
	_ =	sdelay $0x3  }
0x36: {  	p1 =	seq.s32 s10, $0x1;
	s10 =	sld [smem:$0x3FB8];
	_ =	sdelay $0x3  }
0x37: {  	[smem:$0x3FB8] =	sst s10  }
0x38: {  	s10 =	sld [smem:$0x3FB9]  }
0x39: {  	_ = 	snop;
	(pc) =	sbr.ind lr, $3  }
0x3a: {  	_ = 	snop  }
0x3b: {  	_ = 	snop  }
0x3c: {  	p2 =	seq.s32 s10, $0x1;
	s10 =	sld [smem:$0x3FB8]  }
0x3d: {  	_ =	shalt  }
0x3e: {  	_ =	shalt  }
0x3f: {  	_ =	shalt  }
0x40: {  	_ =	shalt  }
0x41: {  	_ =	shalt  }
0x42: {  	_ =	shalt  }
0x43: {  	_ =	shalt  }
0x44: {  	_ =	shalt  }
0x45: {  	_ =	shalt  }
0x46: {  	_ =	shalt  }
0x47: {  	_ =	shalt  }
0x48: {  	_ =	shalt  }
0x49: {  	_ =	shalt  }
0x4a: {  	_ =	shalt  }
0x4b: {  	_ =	shalt  }
0x4c: {  	_ =	shalt  }
0x4d: {  	_ =	shalt  }
0x4e: {  	_ =	shalt  }
0x4f: {  	_ =	shalt  }
0x50: {  	_ =	shalt  }
0x51: {  	_ =	shalt  }
0x52: {  	_ =	shalt  }
0x53: {  	_ =	shalt  }
0x54: {  	_ =	shalt  }
0x55: {  	_ =	shalt  }
0x56: {  	_ =	shalt  }
0x57: {  	_ =	shalt  }
0x58: {  	_ =	shalt  }
0x59: {  	_ =	shalt  }
0x5a: {  	_ =	shalt  }
0x5b: {  	_ =	shalt  }
0x5c: {  	_ =	shalt  }
0x5d: {  	_ =	shalt  }
0x5e: {  	_ =	shalt  }
0x5f: {  	_ =	shalt  }
0x60: {  	_ =	shalt  }
0x61: {  	_ =	shalt  }
0x62: {  	_ =	shalt  }
0x63: {  	_ =	shalt  }
0x64: {  	_ =	shalt  }
0x65: {  	_ =	shalt  }
0x66: {  	_ =	shalt  }
0x67: {  	_ =	shalt  }
0x68: {  	_ =	shalt  }
0x69: {  	_ =	shalt  }
0x6a: {  	_ =	shalt  }
0x6b: {  	_ =	shalt  }
0x6c: {  	_ =	shalt  }
0x6d: {  	_ =	shalt  }
0x6e: {  	_ =	shalt  }
0x6f: {  	_ =	shalt  }
0x70: {  	_ =	shalt  }
0x71: {  	_ =	shalt  }
0x72: {  	_ =	shalt  }
0x73: {  	_ =	shalt  }
0x74: {  	_ =	shalt  }
0x75: {  	_ =	shalt  }
0x76: {  	_ =	shalt  }
0x77: {  	_ =	shalt  }
0x78: {  	_ =	shalt  }
0x79: {  	_ =	shalt  }
0x7a: {  	_ =	shalt  }
0x7b: {  	_ =	shalt  }
0x7c: {  	_ =	shalt  }
0x7d: {  	_ =	shalt  }
0x7e: {  	_ =	shalt  }
0x7f: {  	_ =	shalt  }
0x80: {  	_ =	shalt  }
0x81: {  	_ =	shalt  }
0x82: {  	_ =	shalt  }
0x83: {  	_ =	shalt  }
0x84: {  	_ =	shalt  }
0x85: {  	_ =	shalt  }
0x86: {  	_ =	shalt  }
0x87: {  	_ =	shalt  }
.Lfunc_end0:
.L_simem_size_0:
called_computation.1_lowered:
.L_overlay_start_0:
0x88: {  	s2 =	sld [smem:$0x3FD9]  }
0x89: {  	s3 =	sld [smem:$0x3FFE];
	_ =	sdelay $0x1  }
0x8a: {  	s1 =	srdreg.scid  }
0x8b: {  	s0 =	sand.u32 $0x1, s1  }
0x8c: {  	s17 =	sshll.u32 s0, $0xA;
	s2 =	sadd.s32 s3, s2  }
0x8d: {  	s2 =	sadd.s32 s2, s17  }
0x8e: {  	[smem:$0x3FC4] =	sst s2  }
0x8f: {  	_ = 	snop  }
0x90: {  	s2 =	sld [smem:$0x3FD0];
	(tm) =	ssettm $0x1  }
0x91: {  	s18 =	sld [smem:$0x3FFB];
	_ =	sdelay $0x3  }
0x92: {  	_ =	strace s18  }
0x93: {  	s3 =	sld [smem:$0x3FFC];
	_ =	sdelay $0x3  }
0x94: {  	_ =	strace s3  }
0x95: {  	s3 =	sld [smem:$0x3FFD];
	_ =	sdelay $0x3  }
0x96: {  	_ =	strace s3  }
0x97: {  	_ =	strace $0x8FFFFFFF  }
0x98: {  	s19 =	sld [smem:$0x3FDB];
	_ =	sdelay $0x1  }
0x99: {  	s4 =	simm.s32 $_scs_section_size  }
0x9a: {  	s5 =	simm.s32 $_size__tile_overlayer_lowered;
	s6 =	simm.s32 $_tile_overlayer_lowered  }
0x9b: {  	s22 =	simm.s32 $0x1BFF;
	s21 =	sshll.u32 s6, $0x1;
	s3 =	sadd.s32 s4, s19  }
0x9c: {  	s7 =	simm.s32 $0x0;
	s20 =	sshll.u32 s5, $0x1;
	s5 =	sadd.s32 s21, s3  }
0x9d: {  	[timem:s7], [sflag:s22] =	dma.local [hbm:s5], s20  }
0x9e: {  	_ =	swait.ge [sflag:s22], s20  }
0x9f: {  	s4 =	ssub.s32 $0x0, s20;
	[sflag:s22] =	ssyncset.done $0x0  }
0xa0: {  	[sflag:s22] =	ssyncadd.s32 s4;
	_ =	sdelay $0x1  }
0xa1: {  	s23 =	simm.s32 $0x1B8B  }
0xa2: {  	_ =	swait.ge [sflag:s23], $0x1  }
0xa3: {  	[sflag:s23] =	ssyncset.done $0x0  }
0xa4: {  	s25 =	simm.s32 $0x1B8E;
	s24 =	sld [smem:$0x3FFE];
	[sflag:s23] =	ssyncadd.s32 $0xFFFFFFFF  }
0xa5: {  	s26 =	simm.s32 $execute0_lowered;
	[smem:$0x3FD2] =	sst s25  }
0xa6: {  	s5 =	sshll.u32 s26, $0x1;
	_ =	strace $0x80000049;
	[dreg:$0x1] =	wrdreg $0xFFFFFFFF  }
0xa7: {  	s28 =	simm.s32 $_size_execute0_lowered;
	s3 =	sadd.s32 s3, s5;
	[dreg:$0x0] =	wrdreg $0x0  }
0xa8: {  	s5 =	sshll.u32 s28, $0x1;
	[dreg:$0x2] =	wrdreg s3  }
0xa9: {  	[dreg:$0x3] =	wrdreg s5  }
0xaa: {  	[dreg:$0x4] =	wrdreg $0xC0  }
0xab: {  	_ =	task [dreg:s7], $0x5FFFF  }
0xac: {  	[dreg:$0x1] =	wrdreg $0xFFFFFFFF  }
0xad: {  	[dreg:$0x0] =	wrdreg $0x60  }
0xae: {  	[dreg:$0x2] =	wrdreg s24  }
0xaf: {  	[dreg:$0x3] =	wrdreg s2  }
0xb0: {  	[dreg:$0x4] =	wrdreg $0x9  }
0xb1: {  	_ =	task.clear_ibuf [dreg:s7], $0x5FFFF;
	_ =	strace $0x90000049  }
0xb2: {  	s29 =	simm.s32 $0x9;
	_ =	strace $0x8000004B  }
0xb3: {  	_ =	swait.ge [sflag:s29], $0x1  }
0xb4: {  	[sflag:s29] =	ssyncadd.s32 $0xFFFFFFFF  }
0xb5: {  	_ =	strace $0x9000004B  }
0xb6: {  	_ =	sfence  }
0xb7: {  	s30 =	sld [smem:$0x0];
	_ =	sdelay $0x2  }
0xb8: {  	s31 =	sshll.u32 s1, $0xD;
	s1 =	sshrl.u32 s1, $0x2  }
0xb9: {  	s3 =	sand.u32 $0x4000, s31;
	s1 =	sadd.s32 s1, s30  }
0xba: {  	s0 =	sor.u32 s3, s0;
	s1 =	sshll.u32 s1, $0x11  }
0xbb: {  	s0 =	sor.u32 s1, s0  }
0xbc: {  	s0 =	sadd.s32 $0x8F2B, s0  }
0xbd: {  	[sflag:s0] =	ssyncadd.remote.s32 $0x1  }
0xbe: {  	_ =	sfence.sel $0xFFFF  }
0xbf: {  	[dreg:$0x0] =	wrdreg $0xFFFFFFFF;
	(pc) =	sbr.abs _section_cstart, $3  }
0xc0: {  	[dreg:$0x1] =	wrdreg $0xFFFFFFFF  }
0xc1: {  	_ =	task.clear_ibuf [dreg:s7], $0x2FFFF;
	_ =	strace $0x9FFFFFFF  }
0xc2: {  	(tm) =	ssettm $0x7FFFFFFF  }
0xc3: {  	_ =	shalt  }
tec
execute0_lowered:
.L_overlay_start_1:
0x0: {  	(tag) =	ssettag $0x1  }
0x1: {  	s0 =	rddreg [dreg:$0x0]  }
0x2: {  	s2 =	rddreg [dreg:$0x1];
	s1 =	simm.s32 $0x0  }
0x3: {  	s4 =	srdreg.scid;
	s7 =	stileid.u32;
	s15 =	simm.s32 $0x4  }
0x4: {  	s21 =	simm.s32 $0x4200;
	s30 =	simm.s32 $0x10200;
	[smem:$0x7FF] =	sst s1  }
0x5: {  	s3 =	sadd.s32 $0x10600, s0;
	s5 =	sadd.s32 $0x8B600, s0;
	s4 =	sand.u32 $0x1, s4  }
0x6: {  	s7 =	sshll.u32 s7, $0x7;
	s6 =	ssub.s32 $0x2, s4;
	s4 =	sshll.u32 s4, $0x6  }
0x7: {  	s9 =	sadd.s32 $0x600, s0;
	s8 =	sshrl.u32 s6, $0x1;
	s10 =	sor.u32 s4, s7  }
0x8: {  	_ =	strace $0x8000004A;
	s14 =	ssub.s32 s6, s8;
	s22 =	sshrl.u32 s10, $0x3  }
0x9: {  	s11 =	sor.u32 $0x800, s10;
	s26 =	sshll.u32 s10, $0x4;
	s10 =	sadd.s32 $0x10700, s0  }
0xa: {  	s4 =	sadd.s32 s5, s22;
	s12 =	sor.u32 $0x4, s22;
	s23 =	sshrl.u32 s11, $0x3  }
0xb: {  	s28 =	sshll.u32 s11, $0x4;
	s13 =	smul.u32 $0x300, s22;
	s11 =	sadd.s32 $0x10800, s0  }
0xc: {  	s14 =	smax.u32 s14, $0x1;
	s22 =	simm.s32 $0x1;
	s24 =	sadd.s32 s5, s12  }
0xd: {  	s5 =	sadd.s32 s5, s23;
	s25 =	sadd.s32 $0x104, s4;
	[dreg:$0x3] =	wrdreg s24  }
0xe: {  	s29 =	sadd.s32 s9, s28;
	s31 =	smul.u32 $0x300, s12;
	[dreg:$0x4] =	wrdreg s5  }
0xf: {  	v2 =	vlaneseq.u32;
	s23 =	simm.s32 $0x2;
	[dreg:$0x5] =	wrdreg s25;
	s5 =	sadd.s32 s9, s26  }
0x10: {  	vm0 =	vmmov $0xffff;
	v1 =	vshrl.u32 v2, $0x3;
	[dreg:$0x7] =	wrdreg s29;
	s12 =	sadd.s32 s2, s13;
	s24 =	simm.s32 $0x3  }
0x11: {  	v0 =	vand.u32 $0x7, v2;
	v2 =	vor.u32 $0x8, v2;
	v1 =	vmul.u32 $0x8, v1;
	s25 =	simm.s32 $0x0;
	[dreg:$0x6] =	wrdreg s5;
	s13 =	sadd.s32 s2, s31  }
.LBB2_1:
0x12: {  	[tilespmem:s1], [sflag:$0x4] =	stream.linear.gather [hbm4b:s4+s1], $0x20, $0x38;
	[tilespmem:$0x1C200] =	vst v63  }
0x13: {  	_ =	swait.ge [sflag:s15], $0x20  }
0x14: {  	[sflag:s15] =	ssyncset.done $0x0  }
0x15: {  	s2 =	simm.s32 $0x80;
	s0 =	rddreg [dreg:$0x3];
	[sflag:s15] =	ssyncadd.s32 $0xFFFFFFE0  }
0x16: {  	[tilespmem:s2], [sflag:$0x4] =	stream.linear.gather [hbm4b:s0+s1], $0x20, $0x38;
	[tilespmem:$0x1C200] =	vst v63  }
0x17: {  	_ =	swait.ge [sflag:s15], $0x20  }
0x18: {  	[sflag:s15] =	ssyncset.done $0x0  }
0x19: {  	s17 =	simm.s32 $0x100;
	s16 =	rddreg [dreg:$0x4];
	[sflag:s15] =	ssyncadd.s32 $0xFFFFFFE0  }
0x1a: {  	[tilespmem:s17], [sflag:$0x4] =	stream.linear.gather [hbm4b:s16+s1], $0x20, $0x38;
	[tilespmem:$0x1C200] =	vst v63  }
0x1b: {  	_ =	swait.ge [sflag:s15], $0x20  }
0x1c: {  	[sflag:s15] =	ssyncset.done $0x0  }
0x1d: {  	s19 =	simm.s32 $0x180;
	s18 =	rddreg [dreg:$0x5];
	[sflag:s15] =	ssyncadd.s32 $0xFFFFFFE0  }
0x1e: {  	[tilespmem:s19], [sflag:$0x4] =	stream.linear.gather [hbm4b:s18+s1], $0x20, $0x38;
	[tilespmem:$0x1C200] =	vst v63  }
0x1f: {  	_ =	swait.ge [sflag:s15], $0x20  }
0x20: {  	[sflag:s15] =	ssyncset.done $0x0  }
0x21: {  	s26 =	simm.s32 $0x200;
	s20 =	rddreg [dreg:$0x6];
	[sflag:s15] =	ssyncadd.s32 $0xFFFFFFE0  }
0x22: {  	[tilespmem:s26], [sflag:$0x4] =	stream.linear.gather [hbm4b:s20+s1], $0x2000, $0x38;
	[tilespmem:$0x1C200] =	vst v63  }
0x23: {  	_ =	swait.ge [sflag:s15], $0x2000  }
0x24: {  	[sflag:s15] =	ssyncset.done $0x0  }
0x25: {  	s29 =	simm.s32 $0x2200;
	s28 =	rddreg [dreg:$0x7];
	[sflag:s15] =	ssyncadd.s32 $0xFFFFE000  }
0x26: {  	[tilespmem:s29], [sflag:$0x4] =	stream.linear.gather [hbm4b:s28+s1], $0x2000, $0x38;
	[tilespmem:$0x1C200] =	vst v63  }
0x27: {  	_ =	swait.ge [sflag:s15], $0x2000  }
0x28: {  	[sflag:s15] =	ssyncset.done $0x0  }
0x29: {  	[sflag:s15] =	ssyncadd.s32 $0xFFFFE000  }
0x2a: {  	v3 =	vld [tilespmem:$0x0];
	_ =	sdelay $0x4  }
0x2b: {  	v4 =	vshrl.u32 v3, $0x3  }
0x2c: {  	v4 =	vmul.u32 $0x30, v4  }
0x2d: {  	v3 =	vand.u32 $0x7, v3  }
0x2e: {  	v3 =	vor.u32 v3, v4  }
0x2f: {  	v4 =	vperm.xlane v3, v0;
	_ =	sdelay $0x1  }
0x30: {  	v4 =	vadd.s32 v1, v4;
	_ =	sdelay $0x3  }
0x31: {  	v3 =	vperm.xlane v3, v2  }
0x32: {  	[tilespmem:s21], [sflag:$0x1] =	stream.indirect_vreg.gather [hbm4b:s3+s1], $0x80, v4, vm0, $0xb8;
	[tilespmem:$0x1C200] =	vst v63  }
0x33: {  	s31 =	simm.s32 $0x4A00;
	v3 =	vadd.s32 v1, v3  }
0x34: {  	[tilespmem:s31], [sflag:$0x1] =	stream.indirect_vreg.gather [hbm4b:s10+s1], $0x80, v4, vm0, $0xb8;
	[tilespmem:$0x1C200] =	vst v63  }
0x35: {  	s2 =	simm.s32 $0x5200  }
0x36: {  	[tilespmem:s2], [sflag:$0x1] =	stream.indirect_vreg.gather [hbm4b:s11+s1], $0x80, v4, vm0, $0xb8;
	[tilespmem:$0x1C200] =	vst v63  }
0x37: {  	s5 =	simm.s32 $0x5A00  }
0x38: {  	[tilespmem:s5], [sflag:$0x1] =	stream.indirect_vreg.gather [hbm4b:s3+s1], $0x80, v3, vm0, $0xb8;
	[tilespmem:$0x1C200] =	vst v63  }
0x39: {  	s6 =	simm.s32 $0x6200  }
0x3a: {  	[tilespmem:s6], [sflag:$0x1] =	stream.indirect_vreg.gather [hbm4b:s10+s1], $0x80, v3, vm0, $0xb8;
	[tilespmem:$0x1C200] =	vst v63  }
0x3b: {  	s7 =	simm.s32 $0x6A00  }
0x3c: {  	[tilespmem:s7], [sflag:$0x1] =	stream.indirect_vreg.gather [hbm4b:s11+s1], $0x80, v3, vm0, $0xb8;
	[tilespmem:$0x1C200] =	vst v63  }
0x3d: {  	v3 =	vld [tilespmem:$0x10];
	_ =	sdelay $0x4  }
0x3e: {  	v57 =	vshrl.u32 v3, $0x3  }
0x3f: {  	v4 =	vmul.u32 $0x30, v57  }
0x40: {  	v3 =	vand.u32 $0x7, v3  }
0x41: {  	v3 =	vor.u32 v3, v4  }
0x42: {  	v4 =	vperm.xlane v3, v0;
	_ =	sdelay $0x1  }
0x43: {  	v4 =	vadd.s32 v1, v4;
	_ =	sdelay $0x3  }
0x44: {  	s8 =	simm.s32 $0x7200;
	v3 =	vperm.xlane v3, v2  }
0x45: {  	[tilespmem:s8], [sflag:$0x1] =	stream.indirect_vreg.gather [hbm4b:s3+s1], $0x80, v4, vm0, $0xb8;
	[tilespmem:$0x1C200] =	vst v63  }
0x46: {  	s9 =	simm.s32 $0x7A00;
	v3 =	vadd.s32 v1, v3  }
0x47: {  	[tilespmem:s9], [sflag:$0x1] =	stream.indirect_vreg.gather [hbm4b:s10+s1], $0x80, v4, vm0, $0xb8;
	[tilespmem:$0x1C200] =	vst v63  }
0x48: {  	s16 =	simm.s32 $0x8200  }
0x49: {  	[tilespmem:s16], [sflag:$0x1] =	stream.indirect_vreg.gather [hbm4b:s11+s1], $0x80, v4, vm0, $0xb8;
	[tilespmem:$0x1C200] =	vst v63  }
0x4a: {  	s17 =	simm.s32 $0x8A00  }
0x4b: {  	[tilespmem:s17], [sflag:$0x1] =	stream.indirect_vreg.gather [hbm4b:s3+s1], $0x80, v3, vm0, $0xb8;
	[tilespmem:$0x1C200] =	vst v63  }
0x4c: {  	s18 =	simm.s32 $0x9200  }
0x4d: {  	[tilespmem:s18], [sflag:$0x1] =	stream.indirect_vreg.gather [hbm4b:s10+s1], $0x80, v3, vm0, $0xb8;
	[tilespmem:$0x1C200] =	vst v63  }
0x4e: {  	s19 =	simm.s32 $0x9A00  }
0x4f: {  	[tilespmem:s19], [sflag:$0x1] =	stream.indirect_vreg.gather [hbm4b:s11+s1], $0x80, v3, vm0, $0xb8;
	[tilespmem:$0x1C200] =	vst v63  }
0x50: {  	v3 =	vld [tilespmem:$0x100];
	_ =	sdelay $0x4  }
0x51: {  	v58 =	vshrl.u32 v3, $0x3  }
0x52: {  	v4 =	vmul.u32 $0x30, v58  }
0x53: {  	v3 =	vand.u32 $0x7, v3  }
0x54: {  	v3 =	vor.u32 v3, v4  }
0x55: {  	v4 =	vperm.xlane v3, v0;
	_ =	sdelay $0x1  }
0x56: {  	v4 =	vadd.s32 v1, v4;
	_ =	sdelay $0x3  }
0x57: {  	s20 =	simm.s32 $0xA200;
	v3 =	vperm.xlane v3, v2  }
0x58: {  	[tilespmem:s20], [sflag:$0x1] =	stream.indirect_vreg.gather [hbm4b:s3+s1], $0x80, v4, vm0, $0xb8;
	[tilespmem:$0x1C200] =	vst v63  }
0x59: {  	s26 =	simm.s32 $0xAA00;
	v3 =	vadd.s32 v1, v3  }
0x5a: {  	[tilespmem:s26], [sflag:$0x1] =	stream.indirect_vreg.gather [hbm4b:s10+s1], $0x80, v4, vm0, $0xb8;
	[tilespmem:$0x1C200] =	vst v63  }
0x5b: {  	s28 =	simm.s32 $0xB200  }
0x5c: {  	[tilespmem:s28], [sflag:$0x1] =	stream.indirect_vreg.gather [hbm4b:s11+s1], $0x80, v4, vm0, $0xb8;
	[tilespmem:$0x1C200] =	vst v63  }
0x5d: {  	s29 =	simm.s32 $0xBA00  }
0x5e: {  	[tilespmem:s29], [sflag:$0x1] =	stream.indirect_vreg.gather [hbm4b:s3+s1], $0x80, v3, vm0, $0xb8;
	[tilespmem:$0x1C200] =	vst v63  }
0x5f: {  	s31 =	simm.s32 $0xC200  }
0x60: {  	[tilespmem:s31], [sflag:$0x1] =	stream.indirect_vreg.gather [hbm4b:s10+s1], $0x80, v3, vm0, $0xb8;
	[tilespmem:$0x1C200] =	vst v63  }
0x61: {  	s2 =	simm.s32 $0xCA00  }
0x62: {  	[tilespmem:s2], [sflag:$0x1] =	stream.indirect_vreg.gather [hbm4b:s11+s1], $0x80, v3, vm0, $0xb8;
	[tilespmem:$0x1C200] =	vst v63  }
0x63: {  	v3 =	vld [tilespmem:$0x110];
	_ =	sdelay $0x4  }
0x64: {  	v59 =	vshrl.u32 v3, $0x3  }
0x65: {  	v4 =	vmul.u32 $0x30, v59  }
0x66: {  	v3 =	vand.u32 $0x7, v3  }
0x67: {  	v3 =	vor.u32 v3, v4  }
0x68: {  	v4 =	vperm.xlane v3, v0;
	_ =	sdelay $0x1  }
0x69: {  	v4 =	vadd.s32 v1, v4;
	_ =	sdelay $0x3  }
0x6a: {  	s5 =	simm.s32 $0xD200;
	v3 =	vperm.xlane v3, v2  }
0x6b: {  	[tilespmem:s5], [sflag:$0x1] =	stream.indirect_vreg.gather [hbm4b:s3+s1], $0x80, v4, vm0, $0xb8;
	[tilespmem:$0x1C200] =	vst v63  }
0x6c: {  	s6 =	simm.s32 $0xDA00;
	v3 =	vadd.s32 v1, v3  }
0x6d: {  	[tilespmem:s6], [sflag:$0x1] =	stream.indirect_vreg.gather [hbm4b:s10+s1], $0x80, v4, vm0, $0xb8;
	[tilespmem:$0x1C200] =	vst v63  }
0x6e: {  	s7 =	simm.s32 $0xE200  }
0x6f: {  	[tilespmem:s7], [sflag:$0x1] =	stream.indirect_vreg.gather [hbm4b:s11+s1], $0x80, v4, vm0, $0xb8;
	[tilespmem:$0x1C200] =	vst v63  }
0x70: {  	s8 =	simm.s32 $0xEA00  }
0x71: {  	[tilespmem:s8], [sflag:$0x1] =	stream.indirect_vreg.gather [hbm4b:s3+s1], $0x80, v3, vm0, $0xb8;
	[tilespmem:$0x1C200] =	vst v63  }
0x72: {  	s9 =	simm.s32 $0xF200  }
0x73: {  	[tilespmem:s9], [sflag:$0x1] =	stream.indirect_vreg.gather [hbm4b:s10+s1], $0x80, v3, vm0, $0xb8;
	[tilespmem:$0x1C200] =	vst v63  }
0x74: {  	s16 =	simm.s32 $0xFA00  }
0x75: {  	[tilespmem:s16], [sflag:$0x1] =	stream.indirect_vreg.gather [hbm4b:s11+s1], $0x80, v3, vm0, $0xb8;
	[tilespmem:$0x1C200] =	vst v63  }
0x76: {  	v3 =	vld [tilespmem:$0x80];
	_ =	sdelay $0x4  }
0x77: {  	v60 =	vshrl.u32 v3, $0x3  }
0x78: {  	v4 =	vmul.u32 $0x30, v60  }
0x79: {  	v3 =	vand.u32 $0x7, v3  }
0x7a: {  	v3 =	vor.u32 v3, v4  }
0x7b: {  	v4 =	vperm.xlane v3, v0;
	_ =	sdelay $0x1  }
0x7c: {  	v4 =	vadd.s32 v1, v4;
	_ =	sdelay $0x3  }
0x7d: {  	v3 =	vperm.xlane v3, v2  }
0x7e: {  	[tilespmem:s30], [sflag:$0x2] =	stream.indirect_vreg.gather [hbm4b:s3+s1], $0x80, v4, vm0, $0xb8;
	[tilespmem:$0x1C200] =	vst v63  }
0x7f: {  	s17 =	simm.s32 $0x10A00;
	v3 =	vadd.s32 v1, v3  }
0x80: {  	[tilespmem:s17], [sflag:$0x2] =	stream.indirect_vreg.gather [hbm4b:s10+s1], $0x80, v4, vm0, $0xb8;
	[tilespmem:$0x1C200] =	vst v63  }
0x81: {  	s18 =	simm.s32 $0x11200  }
0x82: {  	[tilespmem:s18], [sflag:$0x2] =	stream.indirect_vreg.gather [hbm4b:s11+s1], $0x80, v4, vm0, $0xb8;
	[tilespmem:$0x1C200] =	vst v63  }
0x83: {  	s19 =	simm.s32 $0x11A00  }
0x84: {  	[tilespmem:s19], [sflag:$0x2] =	stream.indirect_vreg.gather [hbm4b:s3+s1], $0x80, v3, vm0, $0xb8;
	[tilespmem:$0x1C200] =	vst v63  }
0x85: {  	s20 =	simm.s32 $0x12200  }
0x86: {  	[tilespmem:s20], [sflag:$0x2] =	stream.indirect_vreg.gather [hbm4b:s10+s1], $0x80, v3, vm0, $0xb8;
	[tilespmem:$0x1C200] =	vst v63  }
0x87: {  	s26 =	simm.s32 $0x12A00  }
0x88: {  	[tilespmem:s26], [sflag:$0x2] =	stream.indirect_vreg.gather [hbm4b:s11+s1], $0x80, v3, vm0, $0xb8;
	[tilespmem:$0x1C200] =	vst v63  }
0x89: {  	v3 =	vld [tilespmem:$0x90];
	_ =	sdelay $0x4  }
0x8a: {  	v61 =	vshrl.u32 v3, $0x3  }
0x8b: {  	v4 =	vmul.u32 $0x30, v61  }
0x8c: {  	v3 =	vand.u32 $0x7, v3  }
0x8d: {  	v3 =	vor.u32 v3, v4  }
0x8e: {  	v4 =	vperm.xlane v3, v0;
	_ =	sdelay $0x1  }
0x8f: {  	v4 =	vadd.s32 v1, v4;
	_ =	sdelay $0x3  }
0x90: {  	s28 =	simm.s32 $0x13200;
	v3 =	vperm.xlane v3, v2  }
0x91: {  	[tilespmem:s28], [sflag:$0x2] =	stream.indirect_vreg.gather [hbm4b:s3+s1], $0x80, v4, vm0, $0xb8;
	[tilespmem:$0x1C200] =	vst v63  }
0x92: {  	s29 =	simm.s32 $0x13A00;
	v3 =	vadd.s32 v1, v3  }
0x93: {  	[tilespmem:s29], [sflag:$0x2] =	stream.indirect_vreg.gather [hbm4b:s10+s1], $0x80, v4, vm0, $0xb8;
	[tilespmem:$0x1C200] =	vst v63  }
0x94: {  	s31 =	simm.s32 $0x14200  }
0x95: {  	[tilespmem:s31], [sflag:$0x2] =	stream.indirect_vreg.gather [hbm4b:s11+s1], $0x80, v4, vm0, $0xb8;
	[tilespmem:$0x1C200] =	vst v63  }
0x96: {  	s2 =	simm.s32 $0x14A00  }
0x97: {  	[tilespmem:s2], [sflag:$0x2] =	stream.indirect_vreg.gather [hbm4b:s3+s1], $0x80, v3, vm0, $0xb8;
	[tilespmem:$0x1C200] =	vst v63  }
0x98: {  	s5 =	simm.s32 $0x15200  }
0x99: {  	[tilespmem:s5], [sflag:$0x2] =	stream.indirect_vreg.gather [hbm4b:s10+s1], $0x80, v3, vm0, $0xb8;
	[tilespmem:$0x1C200] =	vst v63  }
0x9a: {  	s6 =	simm.s32 $0x15A00  }
0x9b: {  	[tilespmem:s6], [sflag:$0x2] =	stream.indirect_vreg.gather [hbm4b:s11+s1], $0x80, v3, vm0, $0xb8;
	[tilespmem:$0x1C200] =	vst v63  }
0x9c: {  	v3 =	vld [tilespmem:$0x180];
	_ =	sdelay $0x4  }
0x9d: {  	v62 =	vshrl.u32 v3, $0x3  }
0x9e: {  	v4 =	vmul.u32 $0x30, v62  }
0x9f: {  	v3 =	vand.u32 $0x7, v3  }
0xa0: {  	v3 =	vor.u32 v3, v4  }
0xa1: {  	v4 =	vperm.xlane v3, v0;
	_ =	sdelay $0x1  }
0xa2: {  	v4 =	vadd.s32 v1, v4;
	_ =	sdelay $0x3  }
0xa3: {  	s7 =	simm.s32 $0x16200;
	v3 =	vperm.xlane v3, v2  }
0xa4: {  	[tilespmem:s7], [sflag:$0x2] =	stream.indirect_vreg.gather [hbm4b:s3+s1], $0x80, v4, vm0, $0xb8;
	[tilespmem:$0x1C200] =	vst v63  }
0xa5: {  	s8 =	simm.s32 $0x16A00;
	v3 =	vadd.s32 v1, v3  }
0xa6: {  	[tilespmem:s8], [sflag:$0x2] =	stream.indirect_vreg.gather [hbm4b:s10+s1], $0x80, v4, vm0, $0xb8;
	[tilespmem:$0x1C200] =	vst v63  }
0xa7: {  	s9 =	simm.s32 $0x17200  }
0xa8: {  	[tilespmem:s9], [sflag:$0x2] =	stream.indirect_vreg.gather [hbm4b:s11+s1], $0x80, v4, vm0, $0xb8;
	[tilespmem:$0x1C200] =	vst v63  }
0xa9: {  	s16 =	simm.s32 $0x17A00  }
0xaa: {  	[tilespmem:s16], [sflag:$0x2] =	stream.indirect_vreg.gather [hbm4b:s3+s1], $0x80, v3, vm0, $0xb8;
	[tilespmem:$0x1C200] =	vst v63  }
0xab: {  	s17 =	simm.s32 $0x18200  }
0xac: {  	[tilespmem:s17], [sflag:$0x2] =	stream.indirect_vreg.gather [hbm4b:s10+s1], $0x80, v3, vm0, $0xb8;
	[tilespmem:$0x1C200] =	vst v63  }
0xad: {  	s18 =	simm.s32 $0x18A00  }
0xae: {  	[tilespmem:s18], [sflag:$0x2] =	stream.indirect_vreg.gather [hbm4b:s11+s1], $0x80, v3, vm0, $0xb8;
	[tilespmem:$0x1C200] =	vst v63  }
0xaf: {  	v3 =	vld [tilespmem:$0x190];
	_ =	sdelay $0x4  }
0xb0: {  	v63 =	vshrl.u32 v3, $0x3  }
0xb1: {  	v4 =	vmul.u32 $0x30, v63  }
0xb2: {  	v3 =	vand.u32 $0x7, v3  }
0xb3: {  	v3 =	vor.u32 v3, v4  }
0xb4: {  	v4 =	vperm.xlane v3, v0;
	_ =	sdelay $0x1  }
0xb5: {  	v4 =	vadd.s32 v1, v4;
	_ =	sdelay $0x3  }
0xb6: {  	s19 =	simm.s32 $0x19200;
	v3 =	vperm.xlane v3, v2  }
0xb7: {  	[tilespmem:s19], [sflag:$0x2] =	stream.indirect_vreg.gather [hbm4b:s3+s1], $0x80, v4, vm0, $0xb8;
	[tilespmem:$0x1C200] =	vst v63  }
0xb8: {  	s20 =	simm.s32 $0x19A00;
	v3 =	vadd.s32 v1, v3  }
0xb9: {  	[tilespmem:s20], [sflag:$0x2] =	stream.indirect_vreg.gather [hbm4b:s10+s1], $0x80, v4, vm0, $0xb8;
	[tilespmem:$0x1C200] =	vst v63  }
0xba: {  	s26 =	simm.s32 $0x1A200  }
0xbb: {  	[tilespmem:s26], [sflag:$0x2] =	stream.indirect_vreg.gather [hbm4b:s11+s1], $0x80, v4, vm0, $0xb8;
	[tilespmem:$0x1C200] =	vst v63  }
0xbc: {  	s28 =	simm.s32 $0x1AA00  }
0xbd: {  	[tilespmem:s28], [sflag:$0x2] =	stream.indirect_vreg.gather [hbm4b:s3+s1], $0x80, v3, vm0, $0xb8;
	[tilespmem:$0x1C200] =	vst v63  }
0xbe: {  	s29 =	simm.s32 $0x1B200  }
0xbf: {  	[tilespmem:s29], [sflag:$0x2] =	stream.indirect_vreg.gather [hbm4b:s10+s1], $0x80, v3, vm0, $0xb8;
	[tilespmem:$0x1C200] =	vst v63  }
0xc0: {  	s31 =	simm.s32 $0x1BA00  }
0xc1: {  	[tilespmem:s31], [sflag:$0x2] =	stream.indirect_vreg.gather [hbm4b:s11+s1], $0x80, v3, vm0, $0xb8;
	[tilespmem:$0x1C200] =	vst v63  }
0xc2: {  	_ =	swait.ge [sflag:s22], $0x6000  }
0xc3: {  	[sflag:s22] =	ssyncset.done $0x0  }
0xc4: {  	[sflag:s22] =	ssyncadd.s32 $0xFFFFA000  }
0xc5: {  	_ =	swait.ge [sflag:s22], $0x6000  }
0xc6: {  	[sflag:s22] =	ssyncset.done $0x0  }
0xc7: {  	s26 =	simm.s32 $0x0;
	[sflag:s22] =	ssyncadd.s32 $0xFFFFA000  }
.LBB2_2:
0xc8: {  	s0 =	sshrl.u32 s26, $0x3  }
0xc9: {  	s2 =	sshll.u32 s26, $0x7;
	s29 =	simm.s32 $0x0;
	s28 =	smul.u32 $0x1800, s0  }
0xca: {  	s31 =	sand.u32 $0x380, s2;
	s5 =	sand.u32 $0x40, s29;
	s18 =	sand.u32 $0x1C00, s29  }
0xcb: {  	v3 =	vld [tilespmem:s2+$0x200];
	s19 =	sor.u32 s31, s5;
	s17 =	sadd.s32 s28, s18  }
0xcc: {  	v4 =	vld [tilespmem:s2+$0x2200];
	s20 =	sor.u32 s17, s19  }
0xcd: {  	v5 =	vld [tilespmem:s20+$0x4200]  }
0xce: {  	v6 =	vld [tilespmem:s20+$0xA200];
	_ =	sdelay $0x4  }
0xcf: {  	v5 =	vmul.f32 v5, v3;
	v6 =	vmul.f32 v6, v4  }
0xd0: {  	vm1 =	vgt.f32 v4, $0.0e+00;
	vm2 =	vgt.f32 v3, $0.0e+00  }
0xd1: {  	v5 =	vnsel vm2, $0x0, v5;
	v6 =	vnsel vm1, $0x0, v6  }
0xd2: {  	s0 =	sor.u32 $0x10, s31;
	v5 =	vadd.f32 v6, v5  }
0xd3: {  	s16 =	sor.u32 s0, s5  }
0xd4: {  	s16 =	sor.u32 s17, s16;
	[tilespmem:s20+$0x4200] =	vst v5  }
0xd5: {  	v5 =	vld [tilespmem:s16+$0x4200]  }
0xd6: {  	v6 =	vld [tilespmem:s16+$0xA200];
	_ =	sdelay $0x4  }
0xd7: {  	v5 =	vmul.f32 v5, v3;
	v6 =	vmul.f32 v6, v4;
	_ =	sdelay $0x1  }
0xd8: {  	v5 =	vnsel vm2, $0x0, v5;
	v6 =	vnsel vm1, $0x0, v6  }
0xd9: {  	s2 =	sor.u32 $0x20, s31;
	v5 =	vadd.f32 v6, v5  }
0xda: {  	s18 =	sor.u32 s2, s5  }
0xdb: {  	s18 =	sor.u32 s17, s18;
	[tilespmem:s16+$0x4200] =	vst v5  }
0xdc: {  	v5 =	vld [tilespmem:s18+$0x4200]  }
0xdd: {  	v6 =	vld [tilespmem:s18+$0xA200];
	_ =	sdelay $0x4  }
0xde: {  	v5 =	vmul.f32 v5, v3;
	v6 =	vmul.f32 v6, v4;
	_ =	sdelay $0x1  }
0xdf: {  	v5 =	vnsel vm2, $0x0, v5;
	v6 =	vnsel vm1, $0x0, v6  }
0xe0: {  	s16 =	sor.u32 $0x30, s31;
	v5 =	vadd.f32 v6, v5  }
0xe1: {  	s5 =	sor.u32 s16, s5  }
0xe2: {  	s5 =	sor.u32 s17, s5;
	[tilespmem:s18+$0x4200] =	vst v5  }
0xe3: {  	v5 =	vld [tilespmem:s5+$0x4200]  }
0xe4: {  	v7 =	vld [tilespmem:s5+$0xA200];
	_ =	sdelay $0x4  }
0xe5: {  	s17 =	simm.s32 $0x40;
	v6 =	vmul.f32 v5, v3;
	v5 =	vmul.f32 v7, v4  }
.LBB2_3:
0xe6: {  	p0 =	sne.s32 s17, $0x2C0  }
0xe7: {  	v6 =	vnsel vm2, $0x0, v6;
	s29 =	sadd.s32 $0x200, s29;
	s18 =	smov.u32 s17;
	s17 =	sadd.s32 $0x40, s17  }
0xe8: {  	v5 =	vnsel vm1, $0x0, v5  }
0xe9: {  	s19 =	sand.u32 $0x40, s18;
	s18 =	sand.u32 $0x1C00, s29;
	v5 =	vadd.f32 v5, v6  }
0xea: {  	s18 =	sadd.s32 s28, s18;
	s20 =	sor.u32 s31, s19;
	s6 =	sor.u32 s0, s19  }
0xeb: {  	s7 =	sor.u32 s2, s19;
	s19 =	sor.u32 s16, s19;
	s20 =	sor.u32 s18, s20;
	[tilespmem:s5+$0x4200] =	vst v5  }
0xec: {  	v5 =	vld [tilespmem:s20+$0x4200]  }
0xed: {  	v6 =	vld [tilespmem:s20+$0xA200];
	_ =	sdelay $0x3  }
0xee: {  	v5 =	vmul.f32 v5, v3  }
0xef: {  	v6 =	vmul.f32 v6, v4  }
0xf0: {  	v5 =	vnsel vm2, $0x0, v5  }
0xf1: {  	v6 =	vnsel vm1, $0x0, v6  }
0xf2: {  	v5 =	vadd.f32 v6, v5;
	_ =	sdelay $0x1  }
0xf3: {  	s5 =	sor.u32 s18, s6;
	[tilespmem:s20+$0x4200] =	vst v5  }
0xf4: {  	v5 =	vld [tilespmem:s5+$0x4200]  }
0xf5: {  	v6 =	vld [tilespmem:s5+$0xA200];
	_ =	sdelay $0x3  }
0xf6: {  	v5 =	vmul.f32 v5, v3  }
0xf7: {  	v6 =	vmul.f32 v6, v4  }
0xf8: {  	v5 =	vnsel vm2, $0x0, v5  }
0xf9: {  	v6 =	vnsel vm1, $0x0, v6  }
0xfa: {  	v5 =	vadd.f32 v6, v5;
	_ =	sdelay $0x1  }
0xfb: {  	[tilespmem:s5+$0x4200] =	vst v5;
	s5 =	sor.u32 s18, s7  }
0xfc: {  	v5 =	vld [tilespmem:s5+$0x4200]  }
0xfd: {  	v6 =	vld [tilespmem:s5+$0xA200];
	_ =	sdelay $0x3  }
0xfe: {  	v5 =	vmul.f32 v5, v3  }
0xff: {  	v6 =	vmul.f32 v6, v4  }
0x100: {  	v5 =	vnsel vm2, $0x0, v5  }
0x101: {  	v6 =	vnsel vm1, $0x0, v6  }
0x102: {  	v5 =	vadd.f32 v6, v5;
	_ =	sdelay $0x1  }
0x103: {  	[tilespmem:s5+$0x4200] =	vst v5;
	s5 =	sor.u32 s18, s19  }
0x104: {  	v5 =	vld [tilespmem:s5+$0x4200]  }
0x105: {  	v7 =	vld [tilespmem:s5+$0xA200]  }
.Ltmp0:
0x106: {  	(pc) =	sbr.rel @p0 .LBB2_3-.Ltmp0, $3  }
0x107: {  	_ =	sdelay $0x1  }
0x108: {  	v6 =	vmul.f32 v5, v3  }
0x109: {  	v5 =	vmul.f32 v7, v4  }
0x10a: {  	s26 =	sadd.s32 $0x1, s26  }
0x10b: {  	p0 =	sne.s32 s26, $0x20  }
.Ltmp1:
0x10c: {  	_ = 	snop;
	(pc) =	sbr.rel @p0 .LBB2_2-.Ltmp1, $3  }
0x10d: {  	v3 =	vnsel vm2, $0x0, v6;
	v4 =	vnsel vm1, $0x0, v5  }
0x10e: {  	v3 =	vadd.f32 v4, v3;
	_ =	sdelay $0x1  }
0x10f: {  	[tilespmem:s5+$0x4200] =	vst v3  }
0x110: {  	s26 =	simm.s32 $0x0  }
0x111: {  	[hbm4b:s12+s26] =	stream.linear.scatter [tilespmem:s21], [sflag:$0x3], $0x6000, $0x38;
	[tilespmem:$0x1C200] =	vst v63  }
0x112: {  	_ =	swait.ge [sflag:s23], $0x6000  }
0x113: {  	[sflag:s23] =	ssyncset.done $0x0  }
0x114: {  	[sflag:s23] =	ssyncadd.s32 $0xFFFFA000  }
0x115: {  	_ =	swait.ge [sflag:s23], $0x6000  }
0x116: {  	[sflag:s23] =	ssyncset.done $0x0  }
0x117: {  	s28 =	simm.s32 $0x0;
	[sflag:s23] =	ssyncadd.s32 $0xFFFFA000  }
.LBB2_6:
0x118: {  	s0 =	sshrl.u32 s28, $0x3  }
0x119: {  	s2 =	sshll.u32 s28, $0x7;
	s29 =	smul.u32 $0x1800, s0  }
0x11a: {  	s5 =	sand.u32 $0x40, s26;
	s17 =	sand.u32 $0x1C00, s26;
	s31 =	sand.u32 $0x380, s2  }
0x11b: {  	v3 =	vld [tilespmem:s2+$0x1200];
	s18 =	sor.u32 s31, s5;
	s6 =	sadd.s32 s29, s17  }
0x11c: {  	v4 =	vld [tilespmem:s2+$0x3200];
	s19 =	sor.u32 s6, s18  }
0x11d: {  	v5 =	vld [tilespmem:s19+$0x10200]  }
0x11e: {  	v6 =	vld [tilespmem:s19+$0x16200];
	_ =	sdelay $0x4  }
0x11f: {  	v5 =	vmul.f32 v5, v3;
	v6 =	vmul.f32 v6, v4  }
0x120: {  	vm1 =	vgt.f32 v4, $0.0e+00;
	vm2 =	vgt.f32 v3, $0.0e+00  }
0x121: {  	v5 =	vnsel vm2, $0x0, v5;
	v6 =	vnsel vm1, $0x0, v6  }
0x122: {  	s0 =	sor.u32 $0x10, s31;
	v5 =	vadd.f32 v6, v5  }
0x123: {  	s7 =	sor.u32 s0, s5  }
0x124: {  	s7 =	sor.u32 s6, s7;
	[tilespmem:s19+$0x10200] =	vst v5  }
0x125: {  	v5 =	vld [tilespmem:s7+$0x10200]  }
0x126: {  	v6 =	vld [tilespmem:s7+$0x16200];
	_ =	sdelay $0x4  }
0x127: {  	v5 =	vmul.f32 v5, v3;
	v6 =	vmul.f32 v6, v4;
	_ =	sdelay $0x1  }
0x128: {  	v5 =	vnsel vm2, $0x0, v5;
	v6 =	vnsel vm1, $0x0, v6  }
0x129: {  	s2 =	sor.u32 $0x20, s31;
	v5 =	vadd.f32 v6, v5  }
0x12a: {  	s16 =	sor.u32 s2, s5  }
0x12b: {  	s20 =	sor.u32 s6, s16;
	[tilespmem:s7+$0x10200] =	vst v5  }
0x12c: {  	v5 =	vld [tilespmem:s20+$0x10200]  }
0x12d: {  	v6 =	vld [tilespmem:s20+$0x16200];
	_ =	sdelay $0x4  }
0x12e: {  	v5 =	vmul.f32 v5, v3;
	v6 =	vmul.f32 v6, v4;
	_ =	sdelay $0x1  }
0x12f: {  	v5 =	vnsel vm2, $0x0, v5;
	v6 =	vnsel vm1, $0x0, v6  }
0x130: {  	s16 =	sor.u32 $0x30, s31;
	v5 =	vadd.f32 v6, v5  }
0x131: {  	s5 =	sor.u32 s16, s5  }
0x132: {  	s5 =	sor.u32 s6, s5;
	[tilespmem:s20+$0x10200] =	vst v5  }
0x133: {  	v5 =	vld [tilespmem:s5+$0x10200]  }
0x134: {  	v7 =	vld [tilespmem:s5+$0x16200];
	_ =	sdelay $0x4  }
0x135: {  	s17 =	simm.s32 $0x40;
	s18 =	simm.s32 $0x0;
	v6 =	vmul.f32 v5, v3;
	v5 =	vmul.f32 v7, v4  }
.LBB2_7:
0x136: {  	p0 =	sne.s32 s17, $0x2C0  }
0x137: {  	v6 =	vnsel vm2, $0x0, v6;
	s18 =	sadd.s32 $0x200, s18;
	s6 =	smov.u32 s17;
	s17 =	sadd.s32 $0x40, s17  }
0x138: {  	v5 =	vnsel vm1, $0x0, v5  }
0x139: {  	s6 =	sand.u32 $0x40, s6;
	s7 =	sand.u32 $0x1C00, s18;
	v5 =	vadd.f32 v5, v6  }
0x13a: {  	s19 =	sadd.s32 s29, s7;
	s7 =	sor.u32 s31, s6;
	s8 =	sor.u32 s0, s6  }
0x13b: {  	s9 =	sor.u32 s2, s6;
	s20 =	sor.u32 s16, s6;
	s7 =	sor.u32 s19, s7;
	[tilespmem:s5+$0x10200] =	vst v5  }
0x13c: {  	v5 =	vld [tilespmem:s7+$0x10200]  }
0x13d: {  	v6 =	vld [tilespmem:s7+$0x16200];
	_ =	sdelay $0x3  }
0x13e: {  	v5 =	vmul.f32 v5, v3  }
0x13f: {  	v6 =	vmul.f32 v6, v4  }
0x140: {  	v5 =	vnsel vm2, $0x0, v5  }
0x141: {  	v6 =	vnsel vm1, $0x0, v6  }
0x142: {  	v5 =	vadd.f32 v6, v5;
	_ =	sdelay $0x1  }
0x143: {  	s5 =	sor.u32 s19, s8;
	[tilespmem:s7+$0x10200] =	vst v5  }
0x144: {  	v5 =	vld [tilespmem:s5+$0x10200]  }
0x145: {  	v6 =	vld [tilespmem:s5+$0x16200];
	_ =	sdelay $0x3  }
0x146: {  	v5 =	vmul.f32 v5, v3  }
0x147: {  	v6 =	vmul.f32 v6, v4  }
0x148: {  	v5 =	vnsel vm2, $0x0, v5  }
0x149: {  	v6 =	vnsel vm1, $0x0, v6  }
0x14a: {  	v5 =	vadd.f32 v6, v5;
	_ =	sdelay $0x1  }
0x14b: {  	[tilespmem:s5+$0x10200] =	vst v5;
	s5 =	sor.u32 s19, s9  }
0x14c: {  	v5 =	vld [tilespmem:s5+$0x10200]  }
0x14d: {  	v6 =	vld [tilespmem:s5+$0x16200];
	_ =	sdelay $0x3  }
0x14e: {  	v5 =	vmul.f32 v5, v3  }
0x14f: {  	v6 =	vmul.f32 v6, v4  }
0x150: {  	v5 =	vnsel vm2, $0x0, v5  }
0x151: {  	v6 =	vnsel vm1, $0x0, v6  }
0x152: {  	v5 =	vadd.f32 v6, v5;
	_ =	sdelay $0x1  }
0x153: {  	[tilespmem:s5+$0x10200] =	vst v5;
	s5 =	sor.u32 s19, s20  }
0x154: {  	v5 =	vld [tilespmem:s5+$0x10200]  }
0x155: {  	v7 =	vld [tilespmem:s5+$0x16200]  }
.Ltmp2:
0x156: {  	(pc) =	sbr.rel @p0 .LBB2_7-.Ltmp2, $3  }
0x157: {  	_ =	sdelay $0x1  }
0x158: {  	v6 =	vmul.f32 v5, v3  }
0x159: {  	v5 =	vmul.f32 v7, v4  }
0x15a: {  	s28 =	sadd.s32 $0x1, s28  }
0x15b: {  	p0 =	sne.s32 s28, $0x20  }
.Ltmp3:
0x15c: {  	_ = 	snop;
	(pc) =	sbr.rel @p0 .LBB2_6-.Ltmp3, $3  }
0x15d: {  	v3 =	vnsel vm2, $0x0, v6;
	v4 =	vnsel vm1, $0x0, v5  }
0x15e: {  	v3 =	vadd.f32 v4, v3;
	_ =	sdelay $0x1  }
0x15f: {  	[tilespmem:s5+$0x10200] =	vst v3  }
0x160: {  	[hbm4b:s13+s1] =	stream.linear.scatter [tilespmem:s30], [sflag:$0x3], $0x6000, $0x38;
	[tilespmem:$0x1C200] =	vst v63  }
0x161: {  	s25 =	sadd.s32 $0x1, s25  }
0x162: {  	_ =	swait.ge [sflag:s24], $0x6000;
	p0 =	sne.s32 s25, s14  }
.Ltmp4:
0x163: {  	[sflag:s24] =	ssyncset.done $0x0;
	(pc) =	sbr.rel @p0 .LBB2_1-.Ltmp4, $4  }
0x164: {  	[sflag:s24] =	ssyncadd.s32 $0xFFFFA000  }
0x165: {  	_ =	swait.ge [sflag:s24], $0x6000  }
0x166: {  	[sflag:s24] =	ssyncset.done $0x0  }
0x167: {  	[sflag:s24] =	ssyncadd.s32 $0xFFFFA000  }
0x168: {  	_ =	sfence.sel $0x180000  }
0x169: {  	[bflag:$0x0] =	sbarrier.arrive $0xFFFF  }
0x16a: {  	_ =	strace $0x9000004A  }
0x16b: {  	s0 =	stileid.u32;
	[bflag:$0x2] =	sbarrier.arrive $0xFFFF  }
0x16c: {  	p0 =	sne.s32 s0, $0x0;
	s0 =	rddreg [dreg:$0x2]  }
0x16d: {  	s0 =	sadd.s32 @!p0 $0x100000, s0  }
0x16e: {  	[sflag:s0] =	ssyncadd.tile.s32 @!p0 $0x1;
	_ =	shalt  }
.Lfunc_end2:
_tile_overlayer_lowered:
.L_overlay_start_2:
0x16f: {  	(tag) =	ssettag $0x2  }
0x170: {  	s0 =	rddreg [dreg:$0x0];
	s2 =	stileid.u32  }
0x171: {  	s1 =	rddreg [dreg:$0x1];
	p0 =	sne.s32 s2, $0x0  }
0x172: {  	s3 =	rddreg [dreg:$0x2];
	[bflag:$0x3] =	sbarrier.arrive $0xFFFF;
	s2 =	simm.s32 @!p0 $0x1C04  }
0x173: {  	[timem:s3], [sflag:s2] =	dma.local @!p0 [hbm:s0], s1  }
0x174: {  	s0 =	simm.s32 @!p0 $0x4  }
0x175: {  	_ =	swait.ge @!p0 [sflag:s0], s1  }
0x176: {  	s1 =	ssub.s32 @!p0 $0x0, s1;
	[sflag:s0] =	ssyncset.done @!p0 $0x0  }
0x177: {  	[sflag:s0] =	ssyncadd.s32 @!p0 s1  }
0x178: {  	[bflag:$0x3] =	sbarrier.arrive $0xFFFF  }
0x179: {  	_ =	shalt  }

</sc_bundles>
